<compile_context>
chip_gen: v7x
topology: tpu7x:2x2x1
jax: 0.10.2.dev20260603
libtpu: 0.0.44.dev20260713+nightly
codegen_flags: <defaults>
</compile_context>

<pallas_src>
import jax
import jax.numpy as jnp
from jax import lax
from jax.experimental import pallas as pl
from jax.experimental.pallas import tpu as pltpu
from jax.experimental.pallas import tpu_sc as plsc

VOCAB = 1_000_000
D = 64
DP = 128
BATCH = 4096
HIST = 200

NC = 2
NS = 16
NW = NC * NS
B = BATCH * HIST
B_PER_W = B // NW
CHUNK = 128
NSTEP = B_PER_W // CHUNK
NBUF = 8


def _emb_body(tok_hbm, w_hbm, out_hbm, idx_v, rows_v, gsem, ssem):
    wid = lax.axis_index("s") * NC + lax.axis_index("c")
    base = wid * B_PER_W

    pltpu.sync_copy(tok_hbm.at[pl.ds(base, B_PER_W)], idx_v)

    def gather_desc(i, b):
        return pltpu.make_async_copy(
            w_hbm.at[idx_v.at[pl.ds(i * CHUNK, CHUNK)]], rows_v.at[b], gsem)

    def scatter_desc(i, b):
        return pltpu.make_async_copy(
            rows_v.at[b],
            out_hbm.at[pl.ds(base + i * CHUNK, CHUNK), pl.ds(0, D)],
            ssem,
        )

    for b in range(NBUF):
        gather_desc(b, b).start()

    @pl.loop(0, (NSTEP - NBUF) // NBUF)
    def _steady(g):
        for b in range(NBUF):
            i = g * NBUF + b
            gather_desc(i, b).wait()
            scatter_desc(i, b).start()
            scatter_desc(i, b).wait()
            gather_desc(i + NBUF, b).start()

    for b in range(NBUF):
        i = NSTEP - NBUF + b
        gather_desc(i, b).wait()
        scatter_desc(i, b).start()
        scatter_desc(i, b).wait()


def kernel(tokens, weight):
    if tokens.dtype != jnp.int32:
        tokens = tokens.astype(jnp.int32)
    wp = jnp.concatenate(
        [weight, jnp.zeros((VOCAB, DP - D), jnp.float32)], axis=1)
    w2 = wp.reshape(2 * VOCAB, D)
    tf2 = tokens.reshape(B) * 2
    mesh = plsc.VectorSubcoreMesh(core_axis_name="c", subcore_axis_name="s")
    run = pl.kernel(
        _emb_body,
        out_type=jax.ShapeDtypeStruct((B, DP), jnp.float32),
        mesh=mesh,
        scratch_types=[
            pltpu.VMEM((B_PER_W,), jnp.int32),
            pltpu.VMEM((NBUF, CHUNK, D), jnp.float32),
            pltpu.SemaphoreType.DMA,
            pltpu.SemaphoreType.DMA,
        ],
        compiler_params=pltpu.CompilerParams(use_tc_tiling_on_sc=False),
    )
    outp = run(tf2, w2)
    return outp[:, :D].reshape(BATCH, HIST, D)

# --- scband reference (transcript-rebuilt; emitter-appended) ---
"""Pipeline reference for scband-token-embedding-38027640439295 (READ-ONLY COPY).

The authoritative reference and input builder live on the scoring server;
editing this copy changes nothing except your own understanding.
"""

import jax, jax.numpy as jnp
import numpy as np

VOCAB = 1000000
D_MODEL = 64
BATCH = 4096
HIST = 200

def setup_inputs(seed: int = 0) -> dict:
    key = jax.random.key(seed)
    k_tok, k_w = jax.random.split(key)
    tokens = jax.random.randint(k_tok, (BATCH, HIST), 0, VOCAB, dtype=jnp.int64 if jax.config.jax_enable_x64 else jnp.int32)
    weight = jax.random.normal(k_w, (VOCAB, D_MODEL), dtype=jnp.float32) * 0.01
    return {"tokens": tokens, "weight": weight}

def reference(tokens, weight):
    # x = self.weight[tokens]; autocast branch not active in eval fp32
    x = jnp.take(weight, tokens, axis=0)
    return x

if __name__ == "__main__":
    import jax
    _d = setup_inputs()
    print(jax.jit(kernel)(*tuple(_d.values())))

</pallas_src>

<mosaic_0001>
#map = affine_map<(d0, d1) -> (0)>
#map1 = affine_map<(d0, d1) -> (0, 0)>
module attributes {stable_mosaic.version = 14 : i64} {
  func.func @_emb_body(%arg0: i32, %arg1: i32, %arg2: memref<819200xi32, #tpu.memory_space<hbm>>, %arg3: memref<2000000x64xf32, #tpu.memory_space<hbm>>, %arg4: memref<819200x128xf32, #tpu.memory_space<hbm>>, %arg5: memref<25600xi32, #tpu.memory_space<vmem>>, %arg6: memref<8x128x64xf32, #tpu.memory_space<vmem>>, %arg7: memref<!tpu.dma_semaphore, #tpu.memory_space<semaphore_mem>>, %arg8: memref<!tpu.dma_semaphore, #tpu.memory_space<semaphore_mem>>) attributes {dimension_semantics = [#tpu.dimension_semantics<core_parallel>, #tpu.dimension_semantics<subcore_parallel>], iteration_bounds = array<i64: 2, 16>, scalar_prefetch = 0 : i64, scratch_operands = 4 : i64, tpu.core_type = #tpu.core_type<sc_vector_subcore>, window_params = [{transform_indices = #map}, {transform_indices = #map1}, {transform_indices = #map1}]} {
    %mul3A = arith.constant 2 : i32
    %mul3A_0 = arith.muli %arg1, %mul3A : i32
    %add3A = arith.addi %mul3A_0, %arg0 : i32
    %mul3A_1 = arith.constant 25600 : i32
    %mul3A_2 = arith.muli %add3A, %mul3A_1 : i32
    "tpu.region"() ({
      %run_scoped3A = tpu.sem_alloc : memref<!tpu.dma_semaphore, #tpu.memory_space<semaphore_mem>>
      %dma_start3A_405 = tpu.memref_slice %arg2[%mul3A_2] : memref<819200xi32, #tpu.memory_space<hbm>> -> memref<25600xi32, #tpu.memory_space<hbm>>
      %dma_start3A_406 = tpu.memref_slice %arg2[%mul3A_2] : memref<819200xi32, #tpu.memory_space<hbm>> -> memref<25600xi32, #tpu.memory_space<hbm>>
      tpu.enqueue_dma source(%dma_start3A_406 : memref<25600xi32, #tpu.memory_space<hbm>>) target(%arg5 : memref<25600xi32, #tpu.memory_space<vmem>>) target_semaphore(%run_scoped3A : memref<!tpu.dma_semaphore, #tpu.memory_space<semaphore_mem>>)
      %dma_wait3A_407 = tpu.memref_slice %arg2[%mul3A_2] : memref<819200xi32, #tpu.memory_space<hbm>> -> memref<25600xi32, #tpu.memory_space<hbm>>
      %dma_wait3A_408 = tpu.memref_slice %arg2[%mul3A_2] : memref<819200xi32, #tpu.memory_space<hbm>> -> memref<25600xi32, #tpu.memory_space<hbm>>
      tpu.wait_dma2 semaphore(%run_scoped3A : memref<!tpu.dma_semaphore, #tpu.memory_space<semaphore_mem>>) src(%dma_wait3A_408 : memref<25600xi32, #tpu.memory_space<hbm>>) dst(%arg5 : memref<25600xi32, #tpu.memory_space<vmem>>)
      tpu.yield
    }) : () -> ()
    %dma_start3A = arith.constant 0 : i32
    %dma_start3A_3 = arith.constant 0 : i32
    %dma_start3A_4 = arith.constant 0 : i32
    %dma_start3A_5 = tpu.memref_slice %arg6[%dma_start3A, %dma_start3A_3, %dma_start3A_4] : memref<8x128x64xf32, #tpu.memory_space<vmem>> -> memref<1x128x64xf32, #tpu.memory_space<vmem>>
    %dma_start3A_6 = tpu.memref_squeeze %dma_start3A_5 : memref<1x128x64xf32, #tpu.memory_space<vmem>> -> memref<128x64xf32, #tpu.memory_space<vmem>>
    %dma_start3A_7 = arith.constant 0 : i32
    %dma_start3A_8 = tpu.memref_slice %arg5[%dma_start3A_7] : memref<25600xi32, #tpu.memory_space<vmem>> -> memref<128xi32, #tpu.memory_space<vmem>>
    %dma_start3A_9 = arith.constant 0 : i32
    %dma_start3A_10 = arith.constant 0 : i32
    %dma_start3A_11 = tpu.memref_slice %arg3[%dma_start3A_9, %dma_start3A_10] : memref<2000000x64xf32, #tpu.memory_space<hbm>> -> memref<2000000x64xf32, #tpu.memory_space<hbm>>
    tpu.enqueue_indirect_dma source(%dma_start3A_11 : memref<2000000x64xf32, #tpu.memory_space<hbm>>) target(%dma_start3A_6 : memref<128x64xf32, #tpu.memory_space<vmem>>) offsets(%dma_start3A_8 : memref<128xi32, #tpu.memory_space<vmem>>) semaphore(%arg7 : memref<!tpu.dma_semaphore, #tpu.memory_space<semaphore_mem>>)
    %dma_start3A_12 = arith.constant 1 : i32
    %dma_start3A_13 = arith.constant 0 : i32
    %dma_start3A_14 = arith.constant 0 : i32
    %dma_start3A_15 = tpu.memref_slice %arg6[%dma_start3A_12, %dma_start3A_13, %dma_start3A_14] : memref<8x128x64xf32, #tpu.memory_space<vmem>> -> memref<1x128x64xf32, #tpu.memory_space<vmem>>
    %dma_start3A_16 = tpu.memref_squeeze %dma_start3A_15 : memref<1x128x64xf32, #tpu.memory_space<vmem>> -> memref<128x64xf32, #tpu.memory_space<vmem>>
    %dma_start3A_17 = arith.constant 128 : i32
    %dma_start3A_18 = tpu.memref_slice %arg5[%dma_start3A_17] : memref<25600xi32, #tpu.memory_space<vmem>> -> memref<128xi32, #tpu.memory_space<vmem>>
    %dma_start3A_19 = arith.constant 0 : i32
    %dma_start3A_20 = arith.constant 0 : i32
    %dma_start3A_21 = tpu.memref_slice %arg3[%dma_start3A_19, %dma_start3A_20] : memref<2000000x64xf32, #tpu.memory_space<hbm>> -> memref<2000000x64xf32, #tpu.memory_space<hbm>>
    tpu.enqueue_indirect_dma source(%dma_start3A_21 : memref<2000000x64xf32, #tpu.memory_space<hbm>>) target(%dma_start3A_16 : memref<128x64xf32, #tpu.memory_space<vmem>>) offsets(%dma_start3A_18 : memref<128xi32, #tpu.memory_space<vmem>>) semaphore(%arg7 : memref<!tpu.dma_semaphore, #tpu.memory_space<semaphore_mem>>)
    %dma_start3A_22 = arith.constant 2 : i32
    %dma_start3A_23 = arith.constant 0 : i32
    %dma_start3A_24 = arith.constant 0 : i32
    %dma_start3A_25 = tpu.memref_slice %arg6[%dma_start3A_22, %dma_start3A_23, %dma_start3A_24] : memref<8x128x64xf32, #tpu.memory_space<vmem>> -> memref<1x128x64xf32, #tpu.memory_space<vmem>>
    %dma_start3A_26 = tpu.memref_squeeze %dma_start3A_25 : memref<1x128x64xf32, #tpu.memory_space<vmem>> -> memref<128x64xf32, #tpu.memory_space<vmem>>
    %dma_start3A_27 = arith.constant 256 : i32
    %dma_start3A_28 = tpu.memref_slice %arg5[%dma_start3A_27] : memref<25600xi32, #tpu.memory_space<vmem>> -> memref<128xi32, #tpu.memory_space<vmem>>
    %dma_start3A_29 = arith.constant 0 : i32
    %dma_start3A_30 = arith.constant 0 : i32
    %dma_start3A_31 = tpu.memref_slice %arg3[%dma_start3A_29, %dma_start3A_30] : memref<2000000x64xf32, #tpu.memory_space<hbm>> -> memref<2000000x64xf32, #tpu.memory_space<hbm>>
    tpu.enqueue_indirect_dma source(%dma_start3A_31 : memref<2000000x64xf32, #tpu.memory_space<hbm>>) target(%dma_start3A_26 : memref<128x64xf32, #tpu.memory_space<vmem>>) offsets(%dma_start3A_28 : memref<128xi32, #tpu.memory_space<vmem>>) semaphore(%arg7 : memref<!tpu.dma_semaphore, #tpu.memory_space<semaphore_mem>>)
    %dma_start3A_32 = arith.constant 3 : i32
    %dma_start3A_33 = arith.constant 0 : i32
    %dma_start3A_34 = arith.constant 0 : i32
    %dma_start3A_35 = tpu.memref_slice %arg6[%dma_start3A_32, %dma_start3A_33, %dma_start3A_34] : memref<8x128x64xf32, #tpu.memory_space<vmem>> -> memref<1x128x64xf32, #tpu.memory_space<vmem>>
    %dma_start3A_36 = tpu.memref_squeeze %dma_start3A_35 : memref<1x128x64xf32, #tpu.memory_space<vmem>> -> memref<128x64xf32, #tpu.memory_space<vmem>>
    %dma_start3A_37 = arith.constant 384 : i32
    %dma_start3A_38 = tpu.memref_slice %arg5[%dma_start3A_37] : memref<25600xi32, #tpu.memory_space<vmem>> -> memref<128xi32, #tpu.memory_space<vmem>>
    %dma_start3A_39 = arith.constant 0 : i32
    %dma_start3A_40 = arith.constant 0 : i32
    %dma_start3A_41 = tpu.memref_slice %arg3[%dma_start3A_39, %dma_start3A_40] : memref<2000000x64xf32, #tpu.memory_space<hbm>> -> memref<2000000x64xf32, #tpu.memory_space<hbm>>
    tpu.enqueue_indirect_dma source(%dma_start3A_41 : memref<2000000x64xf32, #tpu.memory_space<hbm>>) target(%dma_start3A_36 : memref<128x64xf32, #tpu.memory_space<vmem>>) offsets(%dma_start3A_38 : memref<128xi32, #tpu.memory_space<vmem>>) semaphore(%arg7 : memref<!tpu.dma_semaphore, #tpu.memory_space<semaphore_mem>>)
    %dma_start3A_42 = arith.constant 4 : i32
    %dma_start3A_43 = arith.constant 0 : i32
    %dma_start3A_44 = arith.constant 0 : i32
    %dma_start3A_45 = tpu.memref_slice %arg6[%dma_start3A_42, %dma_start3A_43, %dma_start3A_44] : memref<8x128x64xf32, #tpu.memory_space<vmem>> -> memref<1x128x64xf32, #tpu.memory_space<vmem>>
    %dma_start3A_46 = tpu.memref_squeeze %dma_start3A_45 : memref<1x128x64xf32, #tpu.memory_space<vmem>> -> memref<128x64xf32, #tpu.memory_space<vmem>>
    %dma_start3A_47 = arith.constant 512 : i32
    %dma_start3A_48 = tpu.memref_slice %arg5[%dma_start3A_47] : memref<25600xi32, #tpu.memory_space<vmem>> -> memref<128xi32, #tpu.memory_space<vmem>>
    %dma_start3A_49 = arith.constant 0 : i32
    %dma_start3A_50 = arith.constant 0 : i32
    %dma_start3A_51 = tpu.memref_slice %arg3[%dma_start3A_49, %dma_start3A_50] : memref<2000000x64xf32, #tpu.memory_space<hbm>> -> memref<2000000x64xf32, #tpu.memory_space<hbm>>
    tpu.enqueue_indirect_dma source(%dma_start3A_51 : memref<2000000x64xf32, #tpu.memory_space<hbm>>) target(%dma_start3A_46 : memref<128x64xf32, #tpu.memory_space<vmem>>) offsets(%dma_start3A_48 : memref<128xi32, #tpu.memory_space<vmem>>) semaphore(%arg7 : memref<!tpu.dma_semaphore, #tpu.memory_space<semaphore_mem>>)
    %dma_start3A_52 = arith.constant 5 : i32
    %dma_start3A_53 = arith.constant 0 : i32
    %dma_start3A_54 = arith.constant 0 : i32
    %dma_start3A_55 = tpu.memref_slice %arg6[%dma_start3A_52, %dma_start3A_53, %dma_start3A_54] : memref<8x128x64xf32, #tpu.memory_space<vmem>> -> memref<1x128x64xf32, #tpu.memory_space<vmem>>
    %dma_start3A_56 = tpu.memref_squeeze %dma_start3A_55 : memref<1x128x64xf32, #tpu.memory_space<vmem>> -> memref<128x64xf32, #tpu.memory_space<vmem>>
    %dma_start3A_57 = arith.constant 640 : i32
    %dma_start3A_58 = tpu.memref_slice %arg5[%dma_start3A_57] : memref<25600xi32, #tpu.memory_space<vmem>> -> memref<128xi32, #tpu.memory_space<vmem>>
    %dma_start3A_59 = arith.constant 0 : i32
    %dma_start3A_60 = arith.constant 0 : i32
    %dma_start3A_61 = tpu.memref_slice %arg3[%dma_start3A_59, %dma_start3A_60] : memref<2000000x64xf32, #tpu.memory_space<hbm>> -> memref<2000000x64xf32, #tpu.memory_space<hbm>>
    tpu.enqueue_indirect_dma source(%dma_start3A_61 : memref<2000000x64xf32, #tpu.memory_space<hbm>>) target(%dma_start3A_56 : memref<128x64xf32, #tpu.memory_space<vmem>>) offsets(%dma_start3A_58 : memref<128xi32, #tpu.memory_space<vmem>>) semaphore(%arg7 : memref<!tpu.dma_semaphore, #tpu.memory_space<semaphore_mem>>)
    %dma_start3A_62 = arith.constant 6 : i32
    %dma_start3A_63 = arith.constant 0 : i32
    %dma_start3A_64 = arith.constant 0 : i32
    %dma_start3A_65 = tpu.memref_slice %arg6[%dma_start3A_62, %dma_start3A_63, %dma_start3A_64] : memref<8x128x64xf32, #tpu.memory_space<vmem>> -> memref<1x128x64xf32, #tpu.memory_space<vmem>>
    %dma_start3A_66 = tpu.memref_squeeze %dma_start3A_65 : memref<1x128x64xf32, #tpu.memory_space<vmem>> -> memref<128x64xf32, #tpu.memory_space<vmem>>
    %dma_start3A_67 = arith.constant 768 : i32
    %dma_start3A_68 = tpu.memref_slice %arg5[%dma_start3A_67] : memref<25600xi32, #tpu.memory_space<vmem>> -> memref<128xi32, #tpu.memory_space<vmem>>
    %dma_start3A_69 = arith.constant 0 : i32
    %dma_start3A_70 = arith.constant 0 : i32
    %dma_start3A_71 = tpu.memref_slice %arg3[%dma_start3A_69, %dma_start3A_70] : memref<2000000x64xf32, #tpu.memory_space<hbm>> -> memref<2000000x64xf32, #tpu.memory_space<hbm>>
    tpu.enqueue_indirect_dma source(%dma_start3A_71 : memref<2000000x64xf32, #tpu.memory_space<hbm>>) target(%dma_start3A_66 : memref<128x64xf32, #tpu.memory_space<vmem>>) offsets(%dma_start3A_68 : memref<128xi32, #tpu.memory_space<vmem>>) semaphore(%arg7 : memref<!tpu.dma_semaphore, #tpu.memory_space<semaphore_mem>>)
    %dma_start3A_72 = arith.constant 7 : i32
    %dma_start3A_73 = arith.constant 0 : i32
    %dma_start3A_74 = arith.constant 0 : i32
    %dma_start3A_75 = tpu.memref_slice %arg6[%dma_start3A_72, %dma_start3A_73, %dma_start3A_74] : memref<8x128x64xf32, #tpu.memory_space<vmem>> -> memref<1x128x64xf32, #tpu.memory_space<vmem>>
    %dma_start3A_76 = tpu.memref_squeeze %dma_start3A_75 : memref<1x128x64xf32, #tpu.memory_space<vmem>> -> memref<128x64xf32, #tpu.memory_space<vmem>>
    %dma_start3A_77 = arith.constant 896 : i32
    %dma_start3A_78 = tpu.memref_slice %arg5[%dma_start3A_77] : memref<25600xi32, #tpu.memory_space<vmem>> -> memref<128xi32, #tpu.memory_space<vmem>>
    %dma_start3A_79 = arith.constant 0 : i32
    %dma_start3A_80 = arith.constant 0 : i32
    %dma_start3A_81 = tpu.memref_slice %arg3[%dma_start3A_79, %dma_start3A_80] : memref<2000000x64xf32, #tpu.memory_space<hbm>> -> memref<2000000x64xf32, #tpu.memory_space<hbm>>
    tpu.enqueue_indirect_dma source(%dma_start3A_81 : memref<2000000x64xf32, #tpu.memory_space<hbm>>) target(%dma_start3A_76 : memref<128x64xf32, #tpu.memory_space<vmem>>) offsets(%dma_start3A_78 : memref<128xi32, #tpu.memory_space<vmem>>) semaphore(%arg7 : memref<!tpu.dma_semaphore, #tpu.memory_space<semaphore_mem>>)
    %scan3A = arith.constant 0 : i32
    %scan3A_82 = arith.constant 24 : i32
    %scan3A_83 = arith.addi %scan3A, %scan3A_82 : i32
    %scan3A_84 = arith.constant 1 : i32
    scf.for %scan3A_405 = %scan3A to %scan3A_83 step %scan3A_84  : i32 {
      %mul3A_406 = arith.constant 1 : i32
      %mul3A_407 = arith.muli %scan3A_405, %mul3A_406 : i32
      %add3A_408 = arith.constant 0 : i32
      %add3A_409 = arith.addi %add3A_408, %mul3A_407 : i32
      %mul3A_410 = arith.constant 8 : i32
      %mul3A_411 = arith.muli %add3A_409, %mul3A_410 : i32
      %add3A_412 = arith.constant 0 : i32
      %add3A_413 = arith.addi %mul3A_411, %add3A_412 : i32
      %mul3A_414 = arith.constant 128 : i32
      %mul3A_415 = arith.muli %add3A_413, %mul3A_414 : i32
      %dma_wait3A_416 = arith.constant 0 : i32
      %dma_wait3A_417 = arith.constant 0 : i32
      %dma_wait3A_418 = arith.constant 0 : i32
      %dma_wait3A_419 = tpu.memref_slice %arg6[%dma_wait3A_416, %dma_wait3A_417, %dma_wait3A_418] : memref<8x128x64xf32, #tpu.memory_space<vmem>> -> memref<1x128x64xf32, #tpu.memory_space<vmem>>
      %dma_wait3A_420 = tpu.memref_squeeze %dma_wait3A_419 : memref<1x128x64xf32, #tpu.memory_space<vmem>> -> memref<128x64xf32, #tpu.memory_space<vmem>>
      %dma_wait3A_421 = tpu.memref_slice %arg5[%mul3A_415] : memref<25600xi32, #tpu.memory_space<vmem>> -> memref<128xi32, #tpu.memory_space<vmem>>
      %dma_wait3A_422 = arith.constant 0 : i32
      %dma_wait3A_423 = arith.constant 0 : i32
      %dma_wait3A_424 = tpu.memref_slice %arg3[%dma_wait3A_422, %dma_wait3A_423] : memref<2000000x64xf32, #tpu.memory_space<hbm>> -> memref<2000000x64xf32, #tpu.memory_space<hbm>>
      tpu.wait_indirect_dma semaphore(%arg7 : memref<!tpu.dma_semaphore, #tpu.memory_space<semaphore_mem>>) src(%dma_wait3A_424 : memref<2000000x64xf32, #tpu.memory_space<hbm>>) dst(%dma_wait3A_420 : memref<128x64xf32, #tpu.memory_space<vmem>>)
      %mul3A_425 = arith.constant 128 : i32
      %mul3A_426 = arith.muli %add3A_413, %mul3A_425 : i32
      %add3A_427 = arith.addi %mul3A_2, %mul3A_426 : i32
      %dma_start3A_428 = arith.constant 0 : i32
      %dma_start3A_429 = arith.constant 0 : i32
      %dma_start3A_430 = arith.constant 0 : i32
      %dma_start3A_431 = tpu.memref_slice %arg6[%dma_start3A_428, %dma_start3A_429, %dma_start3A_430] : memref<8x128x64xf32, #tpu.memory_space<vmem>> -> memref<1x128x64xf32, #tpu.memory_space<vmem>>
      %dma_start3A_432 = tpu.memref_squeeze %dma_start3A_431 : memref<1x128x64xf32, #tpu.memory_space<vmem>> -> memref<128x64xf32, #tpu.memory_space<vmem>>
      %dma_start3A_433 = arith.constant 0 : i32
      %dma_start3A_434 = tpu.memref_slice %arg4[%add3A_427, %dma_start3A_433] : memref<819200x128xf32, #tpu.memory_space<hbm>> -> memref<128x64xf32, #tpu.memory_space<hbm>>
      %dma_start3A_435 = arith.constant 0 : i32
      %dma_start3A_436 = tpu.memref_slice %arg4[%add3A_427, %dma_start3A_435] : memref<819200x128xf32, #tpu.memory_space<hbm>> -> memref<128x64xf32, #tpu.memory_space<hbm>>
      %dma_start3A_437 = arith.constant 0 : i32
      %dma_start3A_438 = arith.constant 0 : i32
      %dma_start3A_439 = tpu.memref_slice %arg6[%dma_start3A_428, %dma_start3A_437, %dma_start3A_438] : memref<8x128x64xf32, #tpu.memory_space<vmem>> -> memref<1x128x64xf32, #tpu.memory_space<vmem>>
      %dma_start3A_440 = tpu.memref_squeeze %dma_start3A_439 : memref<1x128x64xf32, #tpu.memory_space<vmem>> -> memref<128x64xf32, #tpu.memory_space<vmem>>
      tpu.enqueue_dma source(%dma_start3A_440 : memref<128x64xf32, #tpu.memory_space<vmem>>) target(%dma_start3A_436 : memref<128x64xf32, #tpu.memory_space<hbm>>) target_semaphore(%arg8 : memref<!tpu.dma_semaphore, #tpu.memory_space<semaphore_mem>>)
      %mul3A_441 = arith.constant 128 : i32
      %mul3A_442 = arith.muli %add3A_413, %mul3A_441 : i32
      %add3A_443 = arith.addi %mul3A_2, %mul3A_442 : i32
      %dma_wait3A_444 = arith.constant 0 : i32
      %dma_wait3A_445 = arith.constant 0 : i32
      %dma_wait3A_446 = arith.constant 0 : i32
      %dma_wait3A_447 = tpu.memref_slice %arg6[%dma_wait3A_444, %dma_wait3A_445, %dma_wait3A_446] : memref<8x128x64xf32, #tpu.memory_space<vmem>> -> memref<1x128x64xf32, #tpu.memory_space<vmem>>
      %dma_wait3A_448 = tpu.memref_squeeze %dma_wait3A_447 : memref<1x128x64xf32, #tpu.memory_space<vmem>> -> memref<128x64xf32, #tpu.memory_space<vmem>>
      %dma_wait3A_449 = arith.constant 0 : i32
      %dma_wait3A_450 = tpu.memref_slice %arg4[%add3A_443, %dma_wait3A_449] : memref<819200x128xf32, #tpu.memory_space<hbm>> -> memref<128x64xf32, #tpu.memory_space<hbm>>
      %dma_wait3A_451 = arith.constant 0 : i32
      %dma_wait3A_452 = tpu.memref_slice %arg4[%add3A_443, %dma_wait3A_451] : memref<819200x128xf32, #tpu.memory_space<hbm>> -> memref<128x64xf32, #tpu.memory_space<hbm>>
      %dma_wait3A_453 = arith.constant 0 : i32
      %dma_wait3A_454 = arith.constant 0 : i32
      %dma_wait3A_455 = tpu.memref_slice %arg6[%dma_wait3A_444, %dma_wait3A_453, %dma_wait3A_454] : memref<8x128x64xf32, #tpu.memory_space<vmem>> -> memref<1x128x64xf32, #tpu.memory_space<vmem>>
      %dma_wait3A_456 = tpu.memref_squeeze %dma_wait3A_455 : memref<1x128x64xf32, #tpu.memory_space<vmem>> -> memref<128x64xf32, #tpu.memory_space<vmem>>
      tpu.wait_dma2 semaphore(%arg8 : memref<!tpu.dma_semaphore, #tpu.memory_space<semaphore_mem>>) src(%dma_wait3A_456 : memref<128x64xf32, #tpu.memory_space<vmem>>) dst(%dma_wait3A_452 : memref<128x64xf32, #tpu.memory_space<hbm>>)
      %add3A_457 = arith.constant 8 : i32
      %add3A_458 = arith.addi %add3A_413, %add3A_457 : i32
      %mul3A_459 = arith.constant 128 : i32
      %mul3A_460 = arith.muli %add3A_458, %mul3A_459 : i32
      %dma_start3A_461 = arith.constant 0 : i32
      %dma_start3A_462 = arith.constant 0 : i32
      %dma_start3A_463 = arith.constant 0 : i32
      %dma_start3A_464 = tpu.memref_slice %arg6[%dma_start3A_461, %dma_start3A_462, %dma_start3A_463] : memref<8x128x64xf32, #tpu.memory_space<vmem>> -> memref<1x128x64xf32, #tpu.memory_space<vmem>>
      %dma_start3A_465 = tpu.memref_squeeze %dma_start3A_464 : memref<1x128x64xf32, #tpu.memory_space<vmem>> -> memref<128x64xf32, #tpu.memory_space<vmem>>
      %dma_start3A_466 = tpu.memref_slice %arg5[%mul3A_460] : memref<25600xi32, #tpu.memory_space<vmem>> -> memref<128xi32, #tpu.memory_space<vmem>>
      %dma_start3A_467 = arith.constant 0 : i32
      %dma_start3A_468 = arith.constant 0 : i32
      %dma_start3A_469 = tpu.memref_slice %arg3[%dma_start3A_467, %dma_start3A_468] : memref<2000000x64xf32, #tpu.memory_space<hbm>> -> memref<2000000x64xf32, #tpu.memory_space<hbm>>
      tpu.enqueue_indirect_dma source(%dma_start3A_469 : memref<2000000x64xf32, #tpu.memory_space<hbm>>) target(%dma_start3A_465 : memref<128x64xf32, #tpu.memory_space<vmem>>) offsets(%dma_start3A_466 : memref<128xi32, #tpu.memory_space<vmem>>) semaphore(%arg7 : memref<!tpu.dma_semaphore, #tpu.memory_space<semaphore_mem>>)
      %mul3A_470 = arith.constant 8 : i32
      %mul3A_471 = arith.muli %add3A_409, %mul3A_470 : i32
      %add3A_472 = arith.constant 1 : i32
      %add3A_473 = arith.addi %mul3A_471, %add3A_472 : i32
      %mul3A_474 = arith.constant 128 : i32
      %mul3A_475 = arith.muli %add3A_473, %mul3A_474 : i32
      %dma_wait3A_476 = arith.constant 1 : i32
      %dma_wait3A_477 = arith.constant 0 : i32
      %dma_wait3A_478 = arith.constant 0 : i32
      %dma_wait3A_479 = tpu.memref_slice %arg6[%dma_wait3A_476, %dma_wait3A_477, %dma_wait3A_478] : memref<8x128x64xf32, #tpu.memory_space<vmem>> -> memref<1x128x64xf32, #tpu.memory_space<vmem>>
      %dma_wait3A_480 = tpu.memref_squeeze %dma_wait3A_479 : memref<1x128x64xf32, #tpu.memory_space<vmem>> -> memref<128x64xf32, #tpu.memory_space<vmem>>
      %dma_wait3A_481 = tpu.memref_slice %arg5[%mul3A_475] : memref<25600xi32, #tpu.memory_space<vmem>> -> memref<128xi32, #tpu.memory_space<vmem>>
      %dma_wait3A_482 = arith.constant 0 : i32
      %dma_wait3A_483 = arith.constant 0 : i32
      %dma_wait3A_484 = tpu.memref_slice %arg3[%dma_wait3A_482, %dma_wait3A_483] : memref<2000000x64xf32, #tpu.memory_space<hbm>> -> memref<2000000x64xf32, #tpu.memory_space<hbm>>
      tpu.wait_indirect_dma semaphore(%arg7 : memref<!tpu.dma_semaphore, #tpu.memory_space<semaphore_mem>>) src(%dma_wait3A_484 : memref<2000000x64xf32, #tpu.memory_space<hbm>>) dst(%dma_wait3A_480 : memref<128x64xf32, #tpu.memory_space<vmem>>)
      %mul3A_485 = arith.constant 128 : i32
      %mul3A_486 = arith.muli %add3A_473, %mul3A_485 : i32
      %add3A_487 = arith.addi %mul3A_2, %mul3A_486 : i32
      %dma_start3A_488 = arith.constant 1 : i32
      %dma_start3A_489 = arith.constant 0 : i32
      %dma_start3A_490 = arith.constant 0 : i32
      %dma_start3A_491 = tpu.memref_slice %arg6[%dma_start3A_488, %dma_start3A_489, %dma_start3A_490] : memref<8x128x64xf32, #tpu.memory_space<vmem>> -> memref<1x128x64xf32, #tpu.memory_space<vmem>>
      %dma_start3A_492 = tpu.memref_squeeze %dma_start3A_491 : memref<1x128x64xf32, #tpu.memory_space<vmem>> -> memref<128x64xf32, #tpu.memory_space<vmem>>
      %dma_start3A_493 = arith.constant 0 : i32
      %dma_start3A_494 = tpu.memref_slice %arg4[%add3A_487, %dma_start3A_493] : memref<819200x128xf32, #tpu.memory_space<hbm>> -> memref<128x64xf32, #tpu.memory_space<hbm>>
      %dma_start3A_495 = arith.constant 0 : i32
      %dma_start3A_496 = tpu.memref_slice %arg4[%add3A_487, %dma_start3A_495] : memref<819200x128xf32, #tpu.memory_space<hbm>> -> memref<128x64xf32, #tpu.memory_space<hbm>>
      %dma_start3A_497 = arith.constant 0 : i32
      %dma_start3A_498 = arith.constant 0 : i32
      %dma_start3A_499 = tpu.memref_slice %arg6[%dma_start3A_488, %dma_start3A_497, %dma_start3A_498] : memref<8x128x64xf32, #tpu.memory_space<vmem>> -> memref<1x128x64xf32, #tpu.memory_space<vmem>>
      %dma_start3A_500 = tpu.memref_squeeze %dma_start3A_499 : memref<1x128x64xf32, #tpu.memory_space<vmem>> -> memref<128x64xf32, #tpu.memory_space<vmem>>
      tpu.enqueue_dma source(%dma_start3A_500 : memref<128x64xf32, #tpu.memory_space<vmem>>) target(%dma_start3A_496 : memref<128x64xf32, #tpu.memory_space<hbm>>) target_semaphore(%arg8 : memref<!tpu.dma_semaphore, #tpu.memory_space<semaphore_mem>>)
      %mul3A_501 = arith.constant 128 : i32
      %mul3A_502 = arith.muli %add3A_473, %mul3A_501 : i32
      %add3A_503 = arith.addi %mul3A_2, %mul3A_502 : i32
      %dma_wait3A_504 = arith.constant 1 : i32
      %dma_wait3A_505 = arith.constant 0 : i32
      %dma_wait3A_506 = arith.constant 0 : i32
      %dma_wait3A_507 = tpu.memref_slice %arg6[%dma_wait3A_504, %dma_wait3A_505, %dma_wait3A_506] : memref<8x128x64xf32, #tpu.memory_space<vmem>> -> memref<1x128x64xf32, #tpu.memory_space<vmem>>
      %dma_wait3A_508 = tpu.memref_squeeze %dma_wait3A_507 : memref<1x128x64xf32, #tpu.memory_space<vmem>> -> memref<128x64xf32, #tpu.memory_space<vmem>>
      %dma_wait3A_509 = arith.constant 0 : i32
      %dma_wait3A_510 = tpu.memref_slice %arg4[%add3A_503, %dma_wait3A_509] : memref<819200x128xf32, #tpu.memory_space<hbm>> -> memref<128x64xf32, #tpu.memory_space<hbm>>
      %dma_wait3A_511 = arith.constant 0 : i32
      %dma_wait3A_512 = tpu.memref_slice %arg4[%add3A_503, %dma_wait3A_511] : memref<819200x128xf32, #tpu.memory_space<hbm>> -> memref<128x64xf32, #tpu.memory_space<hbm>>
      %dma_wait3A_513 = arith.constant 0 : i32
      %dma_wait3A_514 = arith.constant 0 : i32
      %dma_wait3A_515 = tpu.memref_slice %arg6[%dma_wait3A_504, %dma_wait3A_513, %dma_wait3A_514] : memref<8x128x64xf32, #tpu.memory_space<vmem>> -> memref<1x128x64xf32, #tpu.memory_space<vmem>>
      %dma_wait3A_516 = tpu.memref_squeeze %dma_wait3A_515 : memref<1x128x64xf32, #tpu.memory_space<vmem>> -> memref<128x64xf32, #tpu.memory_space<vmem>>
      tpu.wait_dma2 semaphore(%arg8 : memref<!tpu.dma_semaphore, #tpu.memory_space<semaphore_mem>>) src(%dma_wait3A_516 : memref<128x64xf32, #tpu.memory_space<vmem>>) dst(%dma_wait3A_512 : memref<128x64xf32, #tpu.memory_space<hbm>>)
      %add3A_517 = arith.constant 8 : i32
      %add3A_518 = arith.addi %add3A_473, %add3A_517 : i32
      %mul3A_519 = arith.constant 128 : i32
      %mul3A_520 = arith.muli %add3A_518, %mul3A_519 : i32
      %dma_start3A_521 = arith.constant 1 : i32
      %dma_start3A_522 = arith.constant 0 : i32
      %dma_start3A_523 = arith.constant 0 : i32
      %dma_start3A_524 = tpu.memref_slice %arg6[%dma_start3A_521, %dma_start3A_522, %dma_start3A_523] : memref<8x128x64xf32, #tpu.memory_space<vmem>> -> memref<1x128x64xf32, #tpu.memory_space<vmem>>
      %dma_start3A_525 = tpu.memref_squeeze %dma_start3A_524 : memref<1x128x64xf32, #tpu.memory_space<vmem>> -> memref<128x64xf32, #tpu.memory_space<vmem>>
      %dma_start3A_526 = tpu.memref_slice %arg5[%mul3A_520] : memref<25600xi32, #tpu.memory_space<vmem>> -> memref<128xi32, #tpu.memory_space<vmem>>
      %dma_start3A_527 = arith.constant 0 : i32
      %dma_start3A_528 = arith.constant 0 : i32
      %dma_start3A_529 = tpu.memref_slice %arg3[%dma_start3A_527, %dma_start3A_528] : memref<2000000x64xf32, #tpu.memory_space<hbm>> -> memref<2000000x64xf32, #tpu.memory_space<hbm>>
      tpu.enqueue_indirect_dma source(%dma_start3A_529 : memref<2000000x64xf32, #tpu.memory_space<hbm>>) target(%dma_start3A_525 : memref<128x64xf32, #tpu.memory_space<vmem>>) offsets(%dma_start3A_526 : memref<128xi32, #tpu.memory_space<vmem>>) semaphore(%arg7 : memref<!tpu.dma_semaphore, #tpu.memory_space<semaphore_mem>>)
      %mul3A_530 = arith.constant 8 : i32
      %mul3A_531 = arith.muli %add3A_409, %mul3A_530 : i32
      %add3A_532 = arith.constant 2 : i32
      %add3A_533 = arith.addi %mul3A_531, %add3A_532 : i32
      %mul3A_534 = arith.constant 128 : i32
      %mul3A_535 = arith.muli %add3A_533, %mul3A_534 : i32
      %dma_wait3A_536 = arith.constant 2 : i32
      %dma_wait3A_537 = arith.constant 0 : i32
      %dma_wait3A_538 = arith.constant 0 : i32
      %dma_wait3A_539 = tpu.memref_slice %arg6[%dma_wait3A_536, %dma_wait3A_537, %dma_wait3A_538] : memref<8x128x64xf32, #tpu.memory_space<vmem>> -> memref<1x128x64xf32, #tpu.memory_space<vmem>>
      %dma_wait3A_540 = tpu.memref_squeeze %dma_wait3A_539 : memref<1x128x64xf32, #tpu.memory_space<vmem>> -> memref<128x64xf32, #tpu.memory_space<vmem>>
      %dma_wait3A_541 = tpu.memref_slice %arg5[%mul3A_535] : memref<25600xi32, #tpu.memory_space<vmem>> -> memref<128xi32, #tpu.memory_space<vmem>>
      %dma_wait3A_542 = arith.constant 0 : i32
      %dma_wait3A_543 = arith.constant 0 : i32
      %dma_wait3A_544 = tpu.memref_slice %arg3[%dma_wait3A_542, %dma_wait3A_543] : memref<2000000x64xf32, #tpu.memory_space<hbm>> -> memref<2000000x64xf32, #tpu.memory_space<hbm>>
      tpu.wait_indirect_dma semaphore(%arg7 : memref<!tpu.dma_semaphore, #tpu.memory_space<semaphore_mem>>) src(%dma_wait3A_544 : memref<2000000x64xf32, #tpu.memory_space<hbm>>) dst(%dma_wait3A_540 : memref<128x64xf32, #tpu.memory_space<vmem>>)
      %mul3A_545 = arith.constant 128 : i32
      %mul3A_546 = arith.muli %add3A_533, %mul3A_545 : i32
      %add3A_547 = arith.addi %mul3A_2, %mul3A_546 : i32
      %dma_start3A_548 = arith.constant 2 : i32
      %dma_start3A_549 = arith.constant 0 : i32
      %dma_start3A_550 = arith.constant 0 : i32
      %dma_start3A_551 = tpu.memref_slice %arg6[%dma_start3A_548, %dma_start3A_549, %dma_start3A_550] : memref<8x128x64xf32, #tpu.memory_space<vmem>> -> memref<1x128x64xf32, #tpu.memory_space<vmem>>
      %dma_start3A_552 = tpu.memref_squeeze %dma_start3A_551 : memref<1x128x64xf32, #tpu.memory_space<vmem>> -> memref<128x64xf32, #tpu.memory_space<vmem>>
      %dma_start3A_553 = arith.constant 0 : i32
      %dma_start3A_554 = tpu.memref_slice %arg4[%add3A_547, %dma_start3A_553] : memref<819200x128xf32, #tpu.memory_space<hbm>> -> memref<128x64xf32, #tpu.memory_space<hbm>>
      %dma_start3A_555 = arith.constant 0 : i32
      %dma_start3A_556 = tpu.memref_slice %arg4[%add3A_547, %dma_start3A_555] : memref<819200x128xf32, #tpu.memory_space<hbm>> -> memref<128x64xf32, #tpu.memory_space<hbm>>
      %dma_start3A_557 = arith.constant 0 : i32
      %dma_start3A_558 = arith.constant 0 : i32
      %dma_start3A_559 = tpu.memref_slice %arg6[%dma_start3A_548, %dma_start3A_557, %dma_start3A_558] : memref<8x128x64xf32, #tpu.memory_space<vmem>> -> memref<1x128x64xf32, #tpu.memory_space<vmem>>
      %dma_start3A_560 = tpu.memref_squeeze %dma_start3A_559 : memref<1x128x64xf32, #tpu.memory_space<vmem>> -> memref<128x64xf32, #tpu.memory_space<vmem>>
      tpu.enqueue_dma source(%dma_start3A_560 : memref<128x64xf32, #tpu.memory_space<vmem>>) target(%dma_start3A_556 : memref<128x64xf32, #tpu.memory_space<hbm>>) target_semaphore(%arg8 : memref<!tpu.dma_semaphore, #tpu.memory_space<semaphore_mem>>)
      %mul3A_561 = arith.constant 128 : i32
      %mul3A_562 = arith.muli %add3A_533, %mul3A_561 : i32
      %add3A_563 = arith.addi %mul3A_2, %mul3A_562 : i32
      %dma_wait3A_564 = arith.constant 2 : i32
      %dma_wait3A_565 = arith.constant 0 : i32
      %dma_wait3A_566 = arith.constant 0 : i32
      %dma_wait3A_567 = tpu.memref_slice %arg6[%dma_wait3A_564, %dma_wait3A_565, %dma_wait3A_566] : memref<8x128x64xf32, #tpu.memory_space<vmem>> -> memref<1x128x64xf32, #tpu.memory_space<vmem>>
      %dma_wait3A_568 = tpu.memref_squeeze %dma_wait3A_567 : memref<1x128x64xf32, #tpu.memory_space<vmem>> -> memref<128x64xf32, #tpu.memory_space<vmem>>
      %dma_wait3A_569 = arith.constant 0 : i32
      %dma_wait3A_570 = tpu.memref_slice %arg4[%add3A_563, %dma_wait3A_569] : memref<819200x128xf32, #tpu.memory_space<hbm>> -> memref<128x64xf32, #tpu.memory_space<hbm>>
      %dma_wait3A_571 = arith.constant 0 : i32
      %dma_wait3A_572 = tpu.memref_slice %arg4[%add3A_563, %dma_wait3A_571] : memref<819200x128xf32, #tpu.memory_space<hbm>> -> memref<128x64xf32, #tpu.memory_space<hbm>>
      %dma_wait3A_573 = arith.constant 0 : i32
      %dma_wait3A_574 = arith.constant 0 : i32
      %dma_wait3A_575 = tpu.memref_slice %arg6[%dma_wait3A_564, %dma_wait3A_573, %dma_wait3A_574] : memref<8x128x64xf32, #tpu.memory_space<vmem>> -> memref<1x128x64xf32, #tpu.memory_space<vmem>>
      %dma_wait3A_576 = tpu.memref_squeeze %dma_wait3A_575 : memref<1x128x64xf32, #tpu.memory_space<vmem>> -> memref<128x64xf32, #tpu.memory_space<vmem>>
      tpu.wait_dma2 semaphore(%arg8 : memref<!tpu.dma_semaphore, #tpu.memory_space<semaphore_mem>>) src(%dma_wait3A_576 : memref<128x64xf32, #tpu.memory_space<vmem>>) dst(%dma_wait3A_572 : memref<128x64xf32, #tpu.memory_space<hbm>>)
      %add3A_577 = arith.constant 8 : i32
      %add3A_578 = arith.addi %add3A_533, %add3A_577 : i32
      %mul3A_579 = arith.constant 128 : i32
      %mul3A_580 = arith.muli %add3A_578, %mul3A_579 : i32
      %dma_start3A_581 = arith.constant 2 : i32
      %dma_start3A_582 = arith.constant 0 : i32
      %dma_start3A_583 = arith.constant 0 : i32
      %dma_start3A_584 = tpu.memref_slice %arg6[%dma_start3A_581, %dma_start3A_582, %dma_start3A_583] : memref<8x128x64xf32, #tpu.memory_space<vmem>> -> memref<1x128x64xf32, #tpu.memory_space<vmem>>
      %dma_start3A_585 = tpu.memref_squeeze %dma_start3A_584 : memref<1x128x64xf32, #tpu.memory_space<vmem>> -> memref<128x64xf32, #tpu.memory_space<vmem>>
      %dma_start3A_586 = tpu.memref_slice %arg5[%mul3A_580] : memref<25600xi32, #tpu.memory_space<vmem>> -> memref<128xi32, #tpu.memory_space<vmem>>
      %dma_start3A_587 = arith.constant 0 : i32
      %dma_start3A_588 = arith.constant 0 : i32
      %dma_start3A_589 = tpu.memref_slice %arg3[%dma_start3A_587, %dma_start3A_588] : memref<2000000x64xf32, #tpu.memory_space<hbm>> -> memref<2000000x64xf32, #tpu.memory_space<hbm>>
      tpu.enqueue_indirect_dma source(%dma_start3A_589 : memref<2000000x64xf32, #tpu.memory_space<hbm>>) target(%dma_start3A_585 : memref<128x64xf32, #tpu.memory_space<vmem>>) offsets(%dma_start3A_586 : memref<128xi32, #tpu.memory_space<vmem>>) semaphore(%arg7 : memref<!tpu.dma_semaphore, #tpu.memory_space<semaphore_mem>>)
      %mul3A_590 = arith.constant 8 : i32
      %mul3A_591 = arith.muli %add3A_409, %mul3A_590 : i32
      %add3A_592 = arith.constant 3 : i32
      %add3A_593 = arith.addi %mul3A_591, %add3A_592 : i32
      %mul3A_594 = arith.constant 128 : i32
      %mul3A_595 = arith.muli %add3A_593, %mul3A_594 : i32
      %dma_wait3A_596 = arith.constant 3 : i32
      %dma_wait3A_597 = arith.constant 0 : i32
      %dma_wait3A_598 = arith.constant 0 : i32
      %dma_wait3A_599 = tpu.memref_slice %arg6[%dma_wait3A_596, %dma_wait3A_597, %dma_wait3A_598] : memref<8x128x64xf32, #tpu.memory_space<vmem>> -> memref<1x128x64xf32, #tpu.memory_space<vmem>>
      %dma_wait3A_600 = tpu.memref_squeeze %dma_wait3A_599 : memref<1x128x64xf32, #tpu.memory_space<vmem>> -> memref<128x64xf32, #tpu.memory_space<vmem>>
      %dma_wait3A_601 = tpu.memref_slice %arg5[%mul3A_595] : memref<25600xi32, #tpu.memory_space<vmem>> -> memref<128xi32, #tpu.memory_space<vmem>>
      %dma_wait3A_602 = arith.constant 0 : i32
      %dma_wait3A_603 = arith.constant 0 : i32
      %dma_wait3A_604 = tpu.memref_slice %arg3[%dma_wait3A_602, %dma_wait3A_603] : memref<2000000x64xf32, #tpu.memory_space<hbm>> -> memref<2000000x64xf32, #tpu.memory_space<hbm>>
      tpu.wait_indirect_dma semaphore(%arg7 : memref<!tpu.dma_semaphore, #tpu.memory_space<semaphore_mem>>) src(%dma_wait3A_604 : memref<2000000x64xf32, #tpu.memory_space<hbm>>) dst(%dma_wait3A_600 : memref<128x64xf32, #tpu.memory_space<vmem>>)
      %mul3A_605 = arith.constant 128 : i32
      %mul3A_606 = arith.muli %add3A_593, %mul3A_605 : i32
      %add3A_607 = arith.addi %mul3A_2, %mul3A_606 : i32
      %dma_start3A_608 = arith.constant 3 : i32
      %dma_start3A_609 = arith.constant 0 : i32
      %dma_start3A_610 = arith.constant 0 : i32
      %dma_start3A_611 = tpu.memref_slice %arg6[%dma_start3A_608, %dma_start3A_609, %dma_start3A_610] : memref<8x128x64xf32, #tpu.memory_space<vmem>> -> memref<1x128x64xf32, #tpu.memory_space<vmem>>
      %dma_start3A_612 = tpu.memref_squeeze %dma_start3A_611 : memref<1x128x64xf32, #tpu.memory_space<vmem>> -> memref<128x64xf32, #tpu.memory_space<vmem>>
      %dma_start3A_613 = arith.constant 0 : i32
      %dma_start3A_614 = tpu.memref_slice %arg4[%add3A_607, %dma_start3A_613] : memref<819200x128xf32, #tpu.memory_space<hbm>> -> memref<128x64xf32, #tpu.memory_space<hbm>>
      %dma_start3A_615 = arith.constant 0 : i32
      %dma_start3A_616 = tpu.memref_slice %arg4[%add3A_607, %dma_start3A_615] : memref<819200x128xf32, #tpu.memory_space<hbm>> -> memref<128x64xf32, #tpu.memory_space<hbm>>
      %dma_start3A_617 = arith.constant 0 : i32
      %dma_start3A_618 = arith.constant 0 : i32
      %dma_start3A_619 = tpu.memref_slice %arg6[%dma_start3A_608, %dma_start3A_617, %dma_start3A_618] : memref<8x128x64xf32, #tpu.memory_space<vmem>> -> memref<1x128x64xf32, #tpu.memory_space<vmem>>
      %dma_start3A_620 = tpu.memref_squeeze %dma_start3A_619 : memref<1x128x64xf32, #tpu.memory_space<vmem>> -> memref<128x64xf32, #tpu.memory_space<vmem>>
      tpu.enqueue_dma source(%dma_start3A_620 : memref<128x64xf32, #tpu.memory_space<vmem>>) target(%dma_start3A_616 : memref<128x64xf32, #tpu.memory_space<hbm>>) target_semaphore(%arg8 : memref<!tpu.dma_semaphore, #tpu.memory_space<semaphore_mem>>)
      %mul3A_621 = arith.constant 128 : i32
      %mul3A_622 = arith.muli %add3A_593, %mul3A_621 : i32
      %add3A_623 = arith.addi %mul3A_2, %mul3A_622 : i32
      %dma_wait3A_624 = arith.constant 3 : i32
      %dma_wait3A_625 = arith.constant 0 : i32
      %dma_wait3A_626 = arith.constant 0 : i32
      %dma_wait3A_627 = tpu.memref_slice %arg6[%dma_wait3A_624, %dma_wait3A_625, %dma_wait3A_626] : memref<8x128x64xf32, #tpu.memory_space<vmem>> -> memref<1x128x64xf32, #tpu.memory_space<vmem>>
      %dma_wait3A_628 = tpu.memref_squeeze %dma_wait3A_627 : memref<1x128x64xf32, #tpu.memory_space<vmem>> -> memref<128x64xf32, #tpu.memory_space<vmem>>
      %dma_wait3A_629 = arith.constant 0 : i32
      %dma_wait3A_630 = tpu.memref_slice %arg4[%add3A_623, %dma_wait3A_629] : memref<819200x128xf32, #tpu.memory_space<hbm>> -> memref<128x64xf32, #tpu.memory_space<hbm>>
      %dma_wait3A_631 = arith.constant 0 : i32
      %dma_wait3A_632 = tpu.memref_slice %arg4[%add3A_623, %dma_wait3A_631] : memref<819200x128xf32, #tpu.memory_space<hbm>> -> memref<128x64xf32, #tpu.memory_space<hbm>>
      %dma_wait3A_633 = arith.constant 0 : i32
      %dma_wait3A_634 = arith.constant 0 : i32
      %dma_wait3A_635 = tpu.memref_slice %arg6[%dma_wait3A_624, %dma_wait3A_633, %dma_wait3A_634] : memref<8x128x64xf32, #tpu.memory_space<vmem>> -> memref<1x128x64xf32, #tpu.memory_space<vmem>>
      %dma_wait3A_636 = tpu.memref_squeeze %dma_wait3A_635 : memref<1x128x64xf32, #tpu.memory_space<vmem>> -> memref<128x64xf32, #tpu.memory_space<vmem>>
      tpu.wait_dma2 semaphore(%arg8 : memref<!tpu.dma_semaphore, #tpu.memory_space<semaphore_mem>>) src(%dma_wait3A_636 : memref<128x64xf32, #tpu.memory_space<vmem>>) dst(%dma_wait3A_632 : memref<128x64xf32, #tpu.memory_space<hbm>>)
      %add3A_637 = arith.constant 8 : i32
      %add3A_638 = arith.addi %add3A_593, %add3A_637 : i32
      %mul3A_639 = arith.constant 128 : i32
      %mul3A_640 = arith.muli %add3A_638, %mul3A_639 : i32
      %dma_start3A_641 = arith.constant 3 : i32
      %dma_start3A_642 = arith.constant 0 : i32
      %dma_start3A_643 = arith.constant 0 : i32
      %dma_start3A_644 = tpu.memref_slice %arg6[%dma_start3A_641, %dma_start3A_642, %dma_start3A_643] : memref<8x128x64xf32, #tpu.memory_space<vmem>> -> memref<1x128x64xf32, #tpu.memory_space<vmem>>
      %dma_start3A_645 = tpu.memref_squeeze %dma_start3A_644 : memref<1x128x64xf32, #tpu.memory_space<vmem>> -> memref<128x64xf32, #tpu.memory_space<vmem>>
      %dma_start3A_646 = tpu.memref_slice %arg5[%mul3A_640] : memref<25600xi32, #tpu.memory_space<vmem>> -> memref<128xi32, #tpu.memory_space<vmem>>
      %dma_start3A_647 = arith.constant 0 : i32
      %dma_start3A_648 = arith.constant 0 : i32
      %dma_start3A_649 = tpu.memref_slice %arg3[%dma_start3A_647, %dma_start3A_648] : memref<2000000x64xf32, #tpu.memory_space<hbm>> -> memref<2000000x64xf32, #tpu.memory_space<hbm>>
      tpu.enqueue_indirect_dma source(%dma_start3A_649 : memref<2000000x64xf32, #tpu.memory_space<hbm>>) target(%dma_start3A_645 : memref<128x64xf32, #tpu.memory_space<vmem>>) offsets(%dma_start3A_646 : memref<128xi32, #tpu.memory_space<vmem>>) semaphore(%arg7 : memref<!tpu.dma_semaphore, #tpu.memory_space<semaphore_mem>>)
      %mul3A_650 = arith.constant 8 : i32
      %mul3A_651 = arith.muli %add3A_409, %mul3A_650 : i32
      %add3A_652 = arith.constant 4 : i32
      %add3A_653 = arith.addi %mul3A_651, %add3A_652 : i32
      %mul3A_654 = arith.constant 128 : i32
      %mul3A_655 = arith.muli %add3A_653, %mul3A_654 : i32
      %dma_wait3A_656 = arith.constant 4 : i32
      %dma_wait3A_657 = arith.constant 0 : i32
      %dma_wait3A_658 = arith.constant 0 : i32
      %dma_wait3A_659 = tpu.memref_slice %arg6[%dma_wait3A_656, %dma_wait3A_657, %dma_wait3A_658] : memref<8x128x64xf32, #tpu.memory_space<vmem>> -> memref<1x128x64xf32, #tpu.memory_space<vmem>>
      %dma_wait3A_660 = tpu.memref_squeeze %dma_wait3A_659 : memref<1x128x64xf32, #tpu.memory_space<vmem>> -> memref<128x64xf32, #tpu.memory_space<vmem>>
      %dma_wait3A_661 = tpu.memref_slice %arg5[%mul3A_655] : memref<25600xi32, #tpu.memory_space<vmem>> -> memref<128xi32, #tpu.memory_space<vmem>>
      %dma_wait3A_662 = arith.constant 0 : i32
      %dma_wait3A_663 = arith.constant 0 : i32
      %dma_wait3A_664 = tpu.memref_slice %arg3[%dma_wait3A_662, %dma_wait3A_663] : memref<2000000x64xf32, #tpu.memory_space<hbm>> -> memref<2000000x64xf32, #tpu.memory_space<hbm>>
      tpu.wait_indirect_dma semaphore(%arg7 : memref<!tpu.dma_semaphore, #tpu.memory_space<semaphore_mem>>) src(%dma_wait3A_664 : memref<2000000x64xf32, #tpu.memory_space<hbm>>) dst(%dma_wait3A_660 : memref<128x64xf32, #tpu.memory_space<vmem>>)
      %mul3A_665 = arith.constant 128 : i32
      %mul3A_666 = arith.muli %add3A_653, %mul3A_665 : i32
      %add3A_667 = arith.addi %mul3A_2, %mul3A_666 : i32
      %dma_start3A_668 = arith.constant 4 : i32
      %dma_start3A_669 = arith.constant 0 : i32
      %dma_start3A_670 = arith.constant 0 : i32
      %dma_start3A_671 = tpu.memref_slice %arg6[%dma_start3A_668, %dma_start3A_669, %dma_start3A_670] : memref<8x128x64xf32, #tpu.memory_space<vmem>> -> memref<1x128x64xf32, #tpu.memory_space<vmem>>
      %dma_start3A_672 = tpu.memref_squeeze %dma_start3A_671 : memref<1x128x64xf32, #tpu.memory_space<vmem>> -> memref<128x64xf32, #tpu.memory_space<vmem>>
      %dma_start3A_673 = arith.constant 0 : i32
      %dma_start3A_674 = tpu.memref_slice %arg4[%add3A_667, %dma_start3A_673] : memref<819200x128xf32, #tpu.memory_space<hbm>> -> memref<128x64xf32, #tpu.memory_space<hbm>>
      %dma_start3A_675 = arith.constant 0 : i32
      %dma_start3A_676 = tpu.memref_slice %arg4[%add3A_667, %dma_start3A_675] : memref<819200x128xf32, #tpu.memory_space<hbm>> -> memref<128x64xf32, #tpu.memory_space<hbm>>
      %dma_start3A_677 = arith.constant 0 : i32
      %dma_start3A_678 = arith.constant 0 : i32
      %dma_start3A_679 = tpu.memref_slice %arg6[%dma_start3A_668, %dma_start3A_677, %dma_start3A_678] : memref<8x128x64xf32, #tpu.memory_space<vmem>> -> memref<1x128x64xf32, #tpu.memory_space<vmem>>
      %dma_start3A_680 = tpu.memref_squeeze %dma_start3A_679 : memref<1x128x64xf32, #tpu.memory_space<vmem>> -> memref<128x64xf32, #tpu.memory_space<vmem>>
      tpu.enqueue_dma source(%dma_start3A_680 : memref<128x64xf32, #tpu.memory_space<vmem>>) target(%dma_start3A_676 : memref<128x64xf32, #tpu.memory_space<hbm>>) target_semaphore(%arg8 : memref<!tpu.dma_semaphore, #tpu.memory_space<semaphore_mem>>)
      %mul3A_681 = arith.constant 128 : i32
      %mul3A_682 = arith.muli %add3A_653, %mul3A_681 : i32
      %add3A_683 = arith.addi %mul3A_2, %mul3A_682 : i32
      %dma_wait3A_684 = arith.constant 4 : i32
      %dma_wait3A_685 = arith.constant 0 : i32
      %dma_wait3A_686 = arith.constant 0 : i32
      %dma_wait3A_687 = tpu.memref_slice %arg6[%dma_wait3A_684, %dma_wait3A_685, %dma_wait3A_686] : memref<8x128x64xf32, #tpu.memory_space<vmem>> -> memref<1x128x64xf32, #tpu.memory_space<vmem>>
      %dma_wait3A_688 = tpu.memref_squeeze %dma_wait3A_687 : memref<1x128x64xf32, #tpu.memory_space<vmem>> -> memref<128x64xf32, #tpu.memory_space<vmem>>
      %dma_wait3A_689 = arith.constant 0 : i32
      %dma_wait3A_690 = tpu.memref_slice %arg4[%add3A_683, %dma_wait3A_689] : memref<819200x128xf32, #tpu.memory_space<hbm>> -> memref<128x64xf32, #tpu.memory_space<hbm>>
      %dma_wait3A_691 = arith.constant 0 : i32
      %dma_wait3A_692 = tpu.memref_slice %arg4[%add3A_683, %dma_wait3A_691] : memref<819200x128xf32, #tpu.memory_space<hbm>> -> memref<128x64xf32, #tpu.memory_space<hbm>>
      %dma_wait3A_693 = arith.constant 0 : i32
      %dma_wait3A_694 = arith.constant 0 : i32
      %dma_wait3A_695 = tpu.memref_slice %arg6[%dma_wait3A_684, %dma_wait3A_693, %dma_wait3A_694] : memref<8x128x64xf32, #tpu.memory_space<vmem>> -> memref<1x128x64xf32, #tpu.memory_space<vmem>>
      %dma_wait3A_696 = tpu.memref_squeeze %dma_wait3A_695 : memref<1x128x64xf32, #tpu.memory_space<vmem>> -> memref<128x64xf32, #tpu.memory_space<vmem>>
      tpu.wait_dma2 semaphore(%arg8 : memref<!tpu.dma_semaphore, #tpu.memory_space<semaphore_mem>>) src(%dma_wait3A_696 : memref<128x64xf32, #tpu.memory_space<vmem>>) dst(%dma_wait3A_692 : memref<128x64xf32, #tpu.memory_space<hbm>>)
      %add3A_697 = arith.constant 8 : i32
      %add3A_698 = arith.addi %add3A_653, %add3A_697 : i32
      %mul3A_699 = arith.constant 128 : i32
      %mul3A_700 = arith.muli %add3A_698, %mul3A_699 : i32
      %dma_start3A_701 = arith.constant 4 : i32
      %dma_start3A_702 = arith.constant 0 : i32
      %dma_start3A_703 = arith.constant 0 : i32
      %dma_start3A_704 = tpu.memref_slice %arg6[%dma_start3A_701, %dma_start3A_702, %dma_start3A_703] : memref<8x128x64xf32, #tpu.memory_space<vmem>> -> memref<1x128x64xf32, #tpu.memory_space<vmem>>
      %dma_start3A_705 = tpu.memref_squeeze %dma_start3A_704 : memref<1x128x64xf32, #tpu.memory_space<vmem>> -> memref<128x64xf32, #tpu.memory_space<vmem>>
      %dma_start3A_706 = tpu.memref_slice %arg5[%mul3A_700] : memref<25600xi32, #tpu.memory_space<vmem>> -> memref<128xi32, #tpu.memory_space<vmem>>
      %dma_start3A_707 = arith.constant 0 : i32
      %dma_start3A_708 = arith.constant 0 : i32
      %dma_start3A_709 = tpu.memref_slice %arg3[%dma_start3A_707, %dma_start3A_708] : memref<2000000x64xf32, #tpu.memory_space<hbm>> -> memref<2000000x64xf32, #tpu.memory_space<hbm>>
      tpu.enqueue_indirect_dma source(%dma_start3A_709 : memref<2000000x64xf32, #tpu.memory_space<hbm>>) target(%dma_start3A_705 : memref<128x64xf32, #tpu.memory_space<vmem>>) offsets(%dma_start3A_706 : memref<128xi32, #tpu.memory_space<vmem>>) semaphore(%arg7 : memref<!tpu.dma_semaphore, #tpu.memory_space<semaphore_mem>>)
      %mul3A_710 = arith.constant 8 : i32
      %mul3A_711 = arith.muli %add3A_409, %mul3A_710 : i32
      %add3A_712 = arith.constant 5 : i32
      %add3A_713 = arith.addi %mul3A_711, %add3A_712 : i32
      %mul3A_714 = arith.constant 128 : i32
      %mul3A_715 = arith.muli %add3A_713, %mul3A_714 : i32
      %dma_wait3A_716 = arith.constant 5 : i32
      %dma_wait3A_717 = arith.constant 0 : i32
      %dma_wait3A_718 = arith.constant 0 : i32
      %dma_wait3A_719 = tpu.memref_slice %arg6[%dma_wait3A_716, %dma_wait3A_717, %dma_wait3A_718] : memref<8x128x64xf32, #tpu.memory_space<vmem>> -> memref<1x128x64xf32, #tpu.memory_space<vmem>>
      %dma_wait3A_720 = tpu.memref_squeeze %dma_wait3A_719 : memref<1x128x64xf32, #tpu.memory_space<vmem>> -> memref<128x64xf32, #tpu.memory_space<vmem>>
      %dma_wait3A_721 = tpu.memref_slice %arg5[%mul3A_715] : memref<25600xi32, #tpu.memory_space<vmem>> -> memref<128xi32, #tpu.memory_space<vmem>>
      %dma_wait3A_722 = arith.constant 0 : i32
      %dma_wait3A_723 = arith.constant 0 : i32
      %dma_wait3A_724 = tpu.memref_slice %arg3[%dma_wait3A_722, %dma_wait3A_723] : memref<2000000x64xf32, #tpu.memory_space<hbm>> -> memref<2000000x64xf32, #tpu.memory_space<hbm>>
      tpu.wait_indirect_dma semaphore(%arg7 : memref<!tpu.dma_semaphore, #tpu.memory_space<semaphore_mem>>) src(%dma_wait3A_724 : memref<2000000x64xf32, #tpu.memory_space<hbm>>) dst(%dma_wait3A_720 : memref<128x64xf32, #tpu.memory_space<vmem>>)
      %mul3A_725 = arith.constant 128 : i32
      %mul3A_726 = arith.muli %add3A_713, %mul3A_725 : i32
      %add3A_727 = arith.addi %mul3A_2, %mul3A_726 : i32
      %dma_start3A_728 = arith.constant 5 : i32
      %dma_start3A_729 = arith.constant 0 : i32
      %dma_start3A_730 = arith.constant 0 : i32
      %dma_start3A_731 = tpu.memref_slice %arg6[%dma_start3A_728, %dma_start3A_729, %dma_start3A_730] : memref<8x128x64xf32, #tpu.memory_space<vmem>> -> memref<1x128x64xf32, #tpu.memory_space<vmem>>
      %dma_start3A_732 = tpu.memref_squeeze %dma_start3A_731 : memref<1x128x64xf32, #tpu.memory_space<vmem>> -> memref<128x64xf32, #tpu.memory_space<vmem>>
      %dma_start3A_733 = arith.constant 0 : i32
      %dma_start3A_734 = tpu.memref_slice %arg4[%add3A_727, %dma_start3A_733] : memref<819200x128xf32, #tpu.memory_space<hbm>> -> memref<128x64xf32, #tpu.memory_space<hbm>>
      %dma_start3A_735 = arith.constant 0 : i32
      %dma_start3A_736 = tpu.memref_slice %arg4[%add3A_727, %dma_start3A_735] : memref<819200x128xf32, #tpu.memory_space<hbm>> -> memref<128x64xf32, #tpu.memory_space<hbm>>
      %dma_start3A_737 = arith.constant 0 : i32
      %dma_start3A_738 = arith.constant 0 : i32
      %dma_start3A_739 = tpu.memref_slice %arg6[%dma_start3A_728, %dma_start3A_737, %dma_start3A_738] : memref<8x128x64xf32, #tpu.memory_space<vmem>> -> memref<1x128x64xf32, #tpu.memory_space<vmem>>
      %dma_start3A_740 = tpu.memref_squeeze %dma_start3A_739 : memref<1x128x64xf32, #tpu.memory_space<vmem>> -> memref<128x64xf32, #tpu.memory_space<vmem>>
      tpu.enqueue_dma source(%dma_start3A_740 : memref<128x64xf32, #tpu.memory_space<vmem>>) target(%dma_start3A_736 : memref<128x64xf32, #tpu.memory_space<hbm>>) target_semaphore(%arg8 : memref<!tpu.dma_semaphore, #tpu.memory_space<semaphore_mem>>)
      %mul3A_741 = arith.constant 128 : i32
      %mul3A_742 = arith.muli %add3A_713, %mul3A_741 : i32
      %add3A_743 = arith.addi %mul3A_2, %mul3A_742 : i32
      %dma_wait3A_744 = arith.constant 5 : i32
      %dma_wait3A_745 = arith.constant 0 : i32
      %dma_wait3A_746 = arith.constant 0 : i32
      %dma_wait3A_747 = tpu.memref_slice %arg6[%dma_wait3A_744, %dma_wait3A_745, %dma_wait3A_746] : memref<8x128x64xf32, #tpu.memory_space<vmem>> -> memref<1x128x64xf32, #tpu.memory_space<vmem>>
      %dma_wait3A_748 = tpu.memref_squeeze %dma_wait3A_747 : memref<1x128x64xf32, #tpu.memory_space<vmem>> -> memref<128x64xf32, #tpu.memory_space<vmem>>
      %dma_wait3A_749 = arith.constant 0 : i32
      %dma_wait3A_750 = tpu.memref_slice %arg4[%add3A_743, %dma_wait3A_749] : memref<819200x128xf32, #tpu.memory_space<hbm>> -> memref<128x64xf32, #tpu.memory_space<hbm>>
      %dma_wait3A_751 = arith.constant 0 : i32
      %dma_wait3A_752 = tpu.memref_slice %arg4[%add3A_743, %dma_wait3A_751] : memref<819200x128xf32, #tpu.memory_space<hbm>> -> memref<128x64xf32, #tpu.memory_space<hbm>>
      %dma_wait3A_753 = arith.constant 0 : i32
      %dma_wait3A_754 = arith.constant 0 : i32
      %dma_wait3A_755 = tpu.memref_slice %arg6[%dma_wait3A_744, %dma_wait3A_753, %dma_wait3A_754] : memref<8x128x64xf32, #tpu.memory_space<vmem>> -> memref<1x128x64xf32, #tpu.memory_space<vmem>>
      %dma_wait3A_756 = tpu.memref_squeeze %dma_wait3A_755 : memref<1x128x64xf32, #tpu.memory_space<vmem>> -> memref<128x64xf32, #tpu.memory_space<vmem>>
      tpu.wait_dma2 semaphore(%arg8 : memref<!tpu.dma_semaphore, #tpu.memory_space<semaphore_mem>>) src(%dma_wait3A_756 : memref<128x64xf32, #tpu.memory_space<vmem>>) dst(%dma_wait3A_752 : memref<128x64xf32, #tpu.memory_space<hbm>>)
      %add3A_757 = arith.constant 8 : i32
      %add3A_758 = arith.addi %add3A_713, %add3A_757 : i32
      %mul3A_759 = arith.constant 128 : i32
      %mul3A_760 = arith.muli %add3A_758, %mul3A_759 : i32
      %dma_start3A_761 = arith.constant 5 : i32
      %dma_start3A_762 = arith.constant 0 : i32
      %dma_start3A_763 = arith.constant 0 : i32
      %dma_start3A_764 = tpu.memref_slice %arg6[%dma_start3A_761, %dma_start3A_762, %dma_start3A_763] : memref<8x128x64xf32, #tpu.memory_space<vmem>> -> memref<1x128x64xf32, #tpu.memory_space<vmem>>
      %dma_start3A_765 = tpu.memref_squeeze %dma_start3A_764 : memref<1x128x64xf32, #tpu.memory_space<vmem>> -> memref<128x64xf32, #tpu.memory_space<vmem>>
      %dma_start3A_766 = tpu.memref_slice %arg5[%mul3A_760] : memref<25600xi32, #tpu.memory_space<vmem>> -> memref<128xi32, #tpu.memory_space<vmem>>
      %dma_start3A_767 = arith.constant 0 : i32
      %dma_start3A_768 = arith.constant 0 : i32
      %dma_start3A_769 = tpu.memref_slice %arg3[%dma_start3A_767, %dma_start3A_768] : memref<2000000x64xf32, #tpu.memory_space<hbm>> -> memref<2000000x64xf32, #tpu.memory_space<hbm>>
      tpu.enqueue_indirect_dma source(%dma_start3A_769 : memref<2000000x64xf32, #tpu.memory_space<hbm>>) target(%dma_start3A_765 : memref<128x64xf32, #tpu.memory_space<vmem>>) offsets(%dma_start3A_766 : memref<128xi32, #tpu.memory_space<vmem>>) semaphore(%arg7 : memref<!tpu.dma_semaphore, #tpu.memory_space<semaphore_mem>>)
      %mul3A_770 = arith.constant 8 : i32
      %mul3A_771 = arith.muli %add3A_409, %mul3A_770 : i32
      %add3A_772 = arith.constant 6 : i32
      %add3A_773 = arith.addi %mul3A_771, %add3A_772 : i32
      %mul3A_774 = arith.constant 128 : i32
      %mul3A_775 = arith.muli %add3A_773, %mul3A_774 : i32
      %dma_wait3A_776 = arith.constant 6 : i32
      %dma_wait3A_777 = arith.constant 0 : i32
      %dma_wait3A_778 = arith.constant 0 : i32
      %dma_wait3A_779 = tpu.memref_slice %arg6[%dma_wait3A_776, %dma_wait3A_777, %dma_wait3A_778] : memref<8x128x64xf32, #tpu.memory_space<vmem>> -> memref<1x128x64xf32, #tpu.memory_space<vmem>>
      %dma_wait3A_780 = tpu.memref_squeeze %dma_wait3A_779 : memref<1x128x64xf32, #tpu.memory_space<vmem>> -> memref<128x64xf32, #tpu.memory_space<vmem>>
      %dma_wait3A_781 = tpu.memref_slice %arg5[%mul3A_775] : memref<25600xi32, #tpu.memory_space<vmem>> -> memref<128xi32, #tpu.memory_space<vmem>>
      %dma_wait3A_782 = arith.constant 0 : i32
      %dma_wait3A_783 = arith.constant 0 : i32
      %dma_wait3A_784 = tpu.memref_slice %arg3[%dma_wait3A_782, %dma_wait3A_783] : memref<2000000x64xf32, #tpu.memory_space<hbm>> -> memref<2000000x64xf32, #tpu.memory_space<hbm>>
      tpu.wait_indirect_dma semaphore(%arg7 : memref<!tpu.dma_semaphore, #tpu.memory_space<semaphore_mem>>) src(%dma_wait3A_784 : memref<2000000x64xf32, #tpu.memory_space<hbm>>) dst(%dma_wait3A_780 : memref<128x64xf32, #tpu.memory_space<vmem>>)
      %mul3A_785 = arith.constant 128 : i32
      %mul3A_786 = arith.muli %add3A_773, %mul3A_785 : i32
      %add3A_787 = arith.addi %mul3A_2, %mul3A_786 : i32
      %dma_start3A_788 = arith.constant 6 : i32
      %dma_start3A_789 = arith.constant 0 : i32
      %dma_start3A_790 = arith.constant 0 : i32
      %dma_start3A_791 = tpu.memref_slice %arg6[%dma_start3A_788, %dma_start3A_789, %dma_start3A_790] : memref<8x128x64xf32, #tpu.memory_space<vmem>> -> memref<1x128x64xf32, #tpu.memory_space<vmem>>
      %dma_start3A_792 = tpu.memref_squeeze %dma_start3A_791 : memref<1x128x64xf32, #tpu.memory_space<vmem>> -> memref<128x64xf32, #tpu.memory_space<vmem>>
      %dma_start3A_793 = arith.constant 0 : i32
      %dma_start3A_794 = tpu.memref_slice %arg4[%add3A_787, %dma_start3A_793] : memref<819200x128xf32, #tpu.memory_space<hbm>> -> memref<128x64xf32, #tpu.memory_space<hbm>>
      %dma_start3A_795 = arith.constant 0 : i32
      %dma_start3A_796 = tpu.memref_slice %arg4[%add3A_787, %dma_start3A_795] : memref<819200x128xf32, #tpu.memory_space<hbm>> -> memref<128x64xf32, #tpu.memory_space<hbm>>
      %dma_start3A_797 = arith.constant 0 : i32
      %dma_start3A_798 = arith.constant 0 : i32
      %dma_start3A_799 = tpu.memref_slice %arg6[%dma_start3A_788, %dma_start3A_797, %dma_start3A_798] : memref<8x128x64xf32, #tpu.memory_space<vmem>> -> memref<1x128x64xf32, #tpu.memory_space<vmem>>
      %dma_start3A_800 = tpu.memref_squeeze %dma_start3A_799 : memref<1x128x64xf32, #tpu.memory_space<vmem>> -> memref<128x64xf32, #tpu.memory_space<vmem>>
      tpu.enqueue_dma source(%dma_start3A_800 : memref<128x64xf32, #tpu.memory_space<vmem>>) target(%dma_start3A_796 : memref<128x64xf32, #tpu.memory_space<hbm>>) target_semaphore(%arg8 : memref<!tpu.dma_semaphore, #tpu.memory_space<semaphore_mem>>)
      %mul3A_801 = arith.constant 128 : i32
      %mul3A_802 = arith.muli %add3A_773, %mul3A_801 : i32
      %add3A_803 = arith.addi %mul3A_2, %mul3A_802 : i32
      %dma_wait3A_804 = arith.constant 6 : i32
      %dma_wait3A_805 = arith.constant 0 : i32
      %dma_wait3A_806 = arith.constant 0 : i32
      %dma_wait3A_807 = tpu.memref_slice %arg6[%dma_wait3A_804, %dma_wait3A_805, %dma_wait3A_806] : memref<8x128x64xf32, #tpu.memory_space<vmem>> -> memref<1x128x64xf32, #tpu.memory_space<vmem>>
      %dma_wait3A_808 = tpu.memref_squeeze %dma_wait3A_807 : memref<1x128x64xf32, #tpu.memory_space<vmem>> -> memref<128x64xf32, #tpu.memory_space<vmem>>
      %dma_wait3A_809 = arith.constant 0 : i32
      %dma_wait3A_810 = tpu.memref_slice %arg4[%add3A_803, %dma_wait3A_809] : memref<819200x128xf32, #tpu.memory_space<hbm>> -> memref<128x64xf32, #tpu.memory_space<hbm>>
      %dma_wait3A_811 = arith.constant 0 : i32
      %dma_wait3A_812 = tpu.memref_slice %arg4[%add3A_803, %dma_wait3A_811] : memref<819200x128xf32, #tpu.memory_space<hbm>> -> memref<128x64xf32, #tpu.memory_space<hbm>>
      %dma_wait3A_813 = arith.constant 0 : i32
      %dma_wait3A_814 = arith.constant 0 : i32
      %dma_wait3A_815 = tpu.memref_slice %arg6[%dma_wait3A_804, %dma_wait3A_813, %dma_wait3A_814] : memref<8x128x64xf32, #tpu.memory_space<vmem>> -> memref<1x128x64xf32, #tpu.memory_space<vmem>>
      %dma_wait3A_816 = tpu.memref_squeeze %dma_wait3A_815 : memref<1x128x64xf32, #tpu.memory_space<vmem>> -> memref<128x64xf32, #tpu.memory_space<vmem>>
      tpu.wait_dma2 semaphore(%arg8 : memref<!tpu.dma_semaphore, #tpu.memory_space<semaphore_mem>>) src(%dma_wait3A_816 : memref<128x64xf32, #tpu.memory_space<vmem>>) dst(%dma_wait3A_812 : memref<128x64xf32, #tpu.memory_space<hbm>>)
      %add3A_817 = arith.constant 8 : i32
      %add3A_818 = arith.addi %add3A_773, %add3A_817 : i32
      %mul3A_819 = arith.constant 128 : i32
      %mul3A_820 = arith.muli %add3A_818, %mul3A_819 : i32
      %dma_start3A_821 = arith.constant 6 : i32
      %dma_start3A_822 = arith.constant 0 : i32
      %dma_start3A_823 = arith.constant 0 : i32
      %dma_start3A_824 = tpu.memref_slice %arg6[%dma_start3A_821, %dma_start3A_822, %dma_start3A_823] : memref<8x128x64xf32, #tpu.memory_space<vmem>> -> memref<1x128x64xf32, #tpu.memory_space<vmem>>
      %dma_start3A_825 = tpu.memref_squeeze %dma_start3A_824 : memref<1x128x64xf32, #tpu.memory_space<vmem>> -> memref<128x64xf32, #tpu.memory_space<vmem>>
      %dma_start3A_826 = tpu.memref_slice %arg5[%mul3A_820] : memref<25600xi32, #tpu.memory_space<vmem>> -> memref<128xi32, #tpu.memory_space<vmem>>
      %dma_start3A_827 = arith.constant 0 : i32
      %dma_start3A_828 = arith.constant 0 : i32
      %dma_start3A_829 = tpu.memref_slice %arg3[%dma_start3A_827, %dma_start3A_828] : memref<2000000x64xf32, #tpu.memory_space<hbm>> -> memref<2000000x64xf32, #tpu.memory_space<hbm>>
      tpu.enqueue_indirect_dma source(%dma_start3A_829 : memref<2000000x64xf32, #tpu.memory_space<hbm>>) target(%dma_start3A_825 : memref<128x64xf32, #tpu.memory_space<vmem>>) offsets(%dma_start3A_826 : memref<128xi32, #tpu.memory_space<vmem>>) semaphore(%arg7 : memref<!tpu.dma_semaphore, #tpu.memory_space<semaphore_mem>>)
      %mul3A_830 = arith.constant 8 : i32
      %mul3A_831 = arith.muli %add3A_409, %mul3A_830 : i32
      %add3A_832 = arith.constant 7 : i32
      %add3A_833 = arith.addi %mul3A_831, %add3A_832 : i32
      %mul3A_834 = arith.constant 128 : i32
      %mul3A_835 = arith.muli %add3A_833, %mul3A_834 : i32
      %dma_wait3A_836 = arith.constant 7 : i32
      %dma_wait3A_837 = arith.constant 0 : i32
      %dma_wait3A_838 = arith.constant 0 : i32
      %dma_wait3A_839 = tpu.memref_slice %arg6[%dma_wait3A_836, %dma_wait3A_837, %dma_wait3A_838] : memref<8x128x64xf32, #tpu.memory_space<vmem>> -> memref<1x128x64xf32, #tpu.memory_space<vmem>>
      %dma_wait3A_840 = tpu.memref_squeeze %dma_wait3A_839 : memref<1x128x64xf32, #tpu.memory_space<vmem>> -> memref<128x64xf32, #tpu.memory_space<vmem>>
      %dma_wait3A_841 = tpu.memref_slice %arg5[%mul3A_835] : memref<25600xi32, #tpu.memory_space<vmem>> -> memref<128xi32, #tpu.memory_space<vmem>>
      %dma_wait3A_842 = arith.constant 0 : i32
      %dma_wait3A_843 = arith.constant 0 : i32
      %dma_wait3A_844 = tpu.memref_slice %arg3[%dma_wait3A_842, %dma_wait3A_843] : memref<2000000x64xf32, #tpu.memory_space<hbm>> -> memref<2000000x64xf32, #tpu.memory_space<hbm>>
      tpu.wait_indirect_dma semaphore(%arg7 : memref<!tpu.dma_semaphore, #tpu.memory_space<semaphore_mem>>) src(%dma_wait3A_844 : memref<2000000x64xf32, #tpu.memory_space<hbm>>) dst(%dma_wait3A_840 : memref<128x64xf32, #tpu.memory_space<vmem>>)
      %mul3A_845 = arith.constant 128 : i32
      %mul3A_846 = arith.muli %add3A_833, %mul3A_845 : i32
      %add3A_847 = arith.addi %mul3A_2, %mul3A_846 : i32
      %dma_start3A_848 = arith.constant 7 : i32
      %dma_start3A_849 = arith.constant 0 : i32
      %dma_start3A_850 = arith.constant 0 : i32
      %dma_start3A_851 = tpu.memref_slice %arg6[%dma_start3A_848, %dma_start3A_849, %dma_start3A_850] : memref<8x128x64xf32, #tpu.memory_space<vmem>> -> memref<1x128x64xf32, #tpu.memory_space<vmem>>
      %dma_start3A_852 = tpu.memref_squeeze %dma_start3A_851 : memref<1x128x64xf32, #tpu.memory_space<vmem>> -> memref<128x64xf32, #tpu.memory_space<vmem>>
      %dma_start3A_853 = arith.constant 0 : i32
      %dma_start3A_854 = tpu.memref_slice %arg4[%add3A_847, %dma_start3A_853] : memref<819200x128xf32, #tpu.memory_space<hbm>> -> memref<128x64xf32, #tpu.memory_space<hbm>>
      %dma_start3A_855 = arith.constant 0 : i32
      %dma_start3A_856 = tpu.memref_slice %arg4[%add3A_847, %dma_start3A_855] : memref<819200x128xf32, #tpu.memory_space<hbm>> -> memref<128x64xf32, #tpu.memory_space<hbm>>
      %dma_start3A_857 = arith.constant 0 : i32
      %dma_start3A_858 = arith.constant 0 : i32
      %dma_start3A_859 = tpu.memref_slice %arg6[%dma_start3A_848, %dma_start3A_857, %dma_start3A_858] : memref<8x128x64xf32, #tpu.memory_space<vmem>> -> memref<1x128x64xf32, #tpu.memory_space<vmem>>
      %dma_start3A_860 = tpu.memref_squeeze %dma_start3A_859 : memref<1x128x64xf32, #tpu.memory_space<vmem>> -> memref<128x64xf32, #tpu.memory_space<vmem>>
      tpu.enqueue_dma source(%dma_start3A_860 : memref<128x64xf32, #tpu.memory_space<vmem>>) target(%dma_start3A_856 : memref<128x64xf32, #tpu.memory_space<hbm>>) target_semaphore(%arg8 : memref<!tpu.dma_semaphore, #tpu.memory_space<semaphore_mem>>)
      %mul3A_861 = arith.constant 128 : i32
      %mul3A_862 = arith.muli %add3A_833, %mul3A_861 : i32
      %add3A_863 = arith.addi %mul3A_2, %mul3A_862 : i32
      %dma_wait3A_864 = arith.constant 7 : i32
      %dma_wait3A_865 = arith.constant 0 : i32
      %dma_wait3A_866 = arith.constant 0 : i32
      %dma_wait3A_867 = tpu.memref_slice %arg6[%dma_wait3A_864, %dma_wait3A_865, %dma_wait3A_866] : memref<8x128x64xf32, #tpu.memory_space<vmem>> -> memref<1x128x64xf32, #tpu.memory_space<vmem>>
      %dma_wait3A_868 = tpu.memref_squeeze %dma_wait3A_867 : memref<1x128x64xf32, #tpu.memory_space<vmem>> -> memref<128x64xf32, #tpu.memory_space<vmem>>
      %dma_wait3A_869 = arith.constant 0 : i32
      %dma_wait3A_870 = tpu.memref_slice %arg4[%add3A_863, %dma_wait3A_869] : memref<819200x128xf32, #tpu.memory_space<hbm>> -> memref<128x64xf32, #tpu.memory_space<hbm>>
      %dma_wait3A_871 = arith.constant 0 : i32
      %dma_wait3A_872 = tpu.memref_slice %arg4[%add3A_863, %dma_wait3A_871] : memref<819200x128xf32, #tpu.memory_space<hbm>> -> memref<128x64xf32, #tpu.memory_space<hbm>>
      %dma_wait3A_873 = arith.constant 0 : i32
      %dma_wait3A_874 = arith.constant 0 : i32
      %dma_wait3A_875 = tpu.memref_slice %arg6[%dma_wait3A_864, %dma_wait3A_873, %dma_wait3A_874] : memref<8x128x64xf32, #tpu.memory_space<vmem>> -> memref<1x128x64xf32, #tpu.memory_space<vmem>>
      %dma_wait3A_876 = tpu.memref_squeeze %dma_wait3A_875 : memref<1x128x64xf32, #tpu.memory_space<vmem>> -> memref<128x64xf32, #tpu.memory_space<vmem>>
      tpu.wait_dma2 semaphore(%arg8 : memref<!tpu.dma_semaphore, #tpu.memory_space<semaphore_mem>>) src(%dma_wait3A_876 : memref<128x64xf32, #tpu.memory_space<vmem>>) dst(%dma_wait3A_872 : memref<128x64xf32, #tpu.memory_space<hbm>>)
      %add3A_877 = arith.constant 8 : i32
      %add3A_878 = arith.addi %add3A_833, %add3A_877 : i32
      %mul3A_879 = arith.constant 128 : i32
      %mul3A_880 = arith.muli %add3A_878, %mul3A_879 : i32
      %dma_start3A_881 = arith.constant 7 : i32
      %dma_start3A_882 = arith.constant 0 : i32
      %dma_start3A_883 = arith.constant 0 : i32
      %dma_start3A_884 = tpu.memref_slice %arg6[%dma_start3A_881, %dma_start3A_882, %dma_start3A_883] : memref<8x128x64xf32, #tpu.memory_space<vmem>> -> memref<1x128x64xf32, #tpu.memory_space<vmem>>
      %dma_start3A_885 = tpu.memref_squeeze %dma_start3A_884 : memref<1x128x64xf32, #tpu.memory_space<vmem>> -> memref<128x64xf32, #tpu.memory_space<vmem>>
      %dma_start3A_886 = tpu.memref_slice %arg5[%mul3A_880] : memref<25600xi32, #tpu.memory_space<vmem>> -> memref<128xi32, #tpu.memory_space<vmem>>
      %dma_start3A_887 = arith.constant 0 : i32
      %dma_start3A_888 = arith.constant 0 : i32
      %dma_start3A_889 = tpu.memref_slice %arg3[%dma_start3A_887, %dma_start3A_888] : memref<2000000x64xf32, #tpu.memory_space<hbm>> -> memref<2000000x64xf32, #tpu.memory_space<hbm>>
      tpu.enqueue_indirect_dma source(%dma_start3A_889 : memref<2000000x64xf32, #tpu.memory_space<hbm>>) target(%dma_start3A_885 : memref<128x64xf32, #tpu.memory_space<vmem>>) offsets(%dma_start3A_886 : memref<128xi32, #tpu.memory_space<vmem>>) semaphore(%arg7 : memref<!tpu.dma_semaphore, #tpu.memory_space<semaphore_mem>>)
    }
    %scan3A_85 = arith.constant 24 : i32
    %dma_wait3A = arith.constant 0 : i32
    %dma_wait3A_86 = arith.constant 0 : i32
    %dma_wait3A_87 = arith.constant 0 : i32
    %dma_wait3A_88 = tpu.memref_slice %arg6[%dma_wait3A, %dma_wait3A_86, %dma_wait3A_87] : memref<8x128x64xf32, #tpu.memory_space<vmem>> -> memref<1x128x64xf32, #tpu.memory_space<vmem>>
    %dma_wait3A_89 = tpu.memref_squeeze %dma_wait3A_88 : memref<1x128x64xf32, #tpu.memory_space<vmem>> -> memref<128x64xf32, #tpu.memory_space<vmem>>
    %dma_wait3A_90 = arith.constant 24576 : i32
    %dma_wait3A_91 = tpu.memref_slice %arg5[%dma_wait3A_90] : memref<25600xi32, #tpu.memory_space<vmem>> -> memref<128xi32, #tpu.memory_space<vmem>>
    %dma_wait3A_92 = arith.constant 0 : i32
    %dma_wait3A_93 = arith.constant 0 : i32
    %dma_wait3A_94 = tpu.memref_slice %arg3[%dma_wait3A_92, %dma_wait3A_93] : memref<2000000x64xf32, #tpu.memory_space<hbm>> -> memref<2000000x64xf32, #tpu.memory_space<hbm>>
    tpu.wait_indirect_dma semaphore(%arg7 : memref<!tpu.dma_semaphore, #tpu.memory_space<semaphore_mem>>) src(%dma_wait3A_94 : memref<2000000x64xf32, #tpu.memory_space<hbm>>) dst(%dma_wait3A_89 : memref<128x64xf32, #tpu.memory_space<vmem>>)
    %add3A_95 = arith.constant 24576 : i32
    %add3A_96 = arith.addi %mul3A_2, %add3A_95 : i32
    %dma_start3A_97 = arith.constant 0 : i32
    %dma_start3A_98 = arith.constant 0 : i32
    %dma_start3A_99 = arith.constant 0 : i32
    %dma_start3A_100 = tpu.memref_slice %arg6[%dma_start3A_97, %dma_start3A_98, %dma_start3A_99] : memref<8x128x64xf32, #tpu.memory_space<vmem>> -> memref<1x128x64xf32, #tpu.memory_space<vmem>>
    %dma_start3A_101 = tpu.memref_squeeze %dma_start3A_100 : memref<1x128x64xf32, #tpu.memory_space<vmem>> -> memref<128x64xf32, #tpu.memory_space<vmem>>
    %dma_start3A_102 = arith.constant 0 : i32
    %dma_start3A_103 = tpu.memref_slice %arg4[%add3A_96, %dma_start3A_102] : memref<819200x128xf32, #tpu.memory_space<hbm>> -> memref<128x64xf32, #tpu.memory_space<hbm>>
    %dma_start3A_104 = arith.constant 0 : i32
    %dma_start3A_105 = tpu.memref_slice %arg4[%add3A_96, %dma_start3A_104] : memref<819200x128xf32, #tpu.memory_space<hbm>> -> memref<128x64xf32, #tpu.memory_space<hbm>>
    %dma_start3A_106 = arith.constant 0 : i32
    %dma_start3A_107 = arith.constant 0 : i32
    %dma_start3A_108 = tpu.memref_slice %arg6[%dma_start3A_97, %dma_start3A_106, %dma_start3A_107] : memref<8x128x64xf32, #tpu.memory_space<vmem>> -> memref<1x128x64xf32, #tpu.memory_space<vmem>>
    %dma_start3A_109 = tpu.memref_squeeze %dma_start3A_108 : memref<1x128x64xf32, #tpu.memory_space<vmem>> -> memref<128x64xf32, #tpu.memory_space<vmem>>
    tpu.enqueue_dma source(%dma_start3A_109 : memref<128x64xf32, #tpu.memory_space<vmem>>) target(%dma_start3A_105 : memref<128x64xf32, #tpu.memory_space<hbm>>) target_semaphore(%arg8 : memref<!tpu.dma_semaphore, #tpu.memory_space<semaphore_mem>>)
    %add3A_110 = arith.constant 24576 : i32
    %add3A_111 = arith.addi %mul3A_2, %add3A_110 : i32
    %dma_wait3A_112 = arith.constant 0 : i32
    %dma_wait3A_113 = arith.constant 0 : i32
    %dma_wait3A_114 = arith.constant 0 : i32
    %dma_wait3A_115 = tpu.memref_slice %arg6[%dma_wait3A_112, %dma_wait3A_113, %dma_wait3A_114] : memref<8x128x64xf32, #tpu.memory_space<vmem>> -> memref<1x128x64xf32, #tpu.memory_space<vmem>>
    %dma_wait3A_116 = tpu.memref_squeeze %dma_wait3A_115 : memref<1x128x64xf32, #tpu.memory_space<vmem>> -> memref<128x64xf32, #tpu.memory_space<vmem>>
    %dma_wait3A_117 = arith.constant 0 : i32
    %dma_wait3A_118 = tpu.memref_slice %arg4[%add3A_111, %dma_wait3A_117] : memref<819200x128xf32, #tpu.memory_space<hbm>> -> memref<128x64xf32, #tpu.memory_space<hbm>>
    %dma_wait3A_119 = arith.constant 0 : i32
    %dma_wait3A_120 = tpu.memref_slice %arg4[%add3A_111, %dma_wait3A_119] : memref<819200x128xf32, #tpu.memory_space<hbm>> -> memref<128x64xf32, #tpu.memory_space<hbm>>
    %dma_wait3A_121 = arith.constant 0 : i32
    %dma_wait3A_122 = arith.constant 0 : i32
    %dma_wait3A_123 = tpu.memref_slice %arg6[%dma_wait3A_112, %dma_wait3A_121, %dma_wait3A_122] : memref<8x128x64xf32, #tpu.memory_space<vmem>> -> memref<1x128x64xf32, #tpu.memory_space<vmem>>
    %dma_wait3A_124 = tpu.memref_squeeze %dma_wait3A_123 : memref<1x128x64xf32, #tpu.memory_space<vmem>> -> memref<128x64xf32, #tpu.memory_space<vmem>>
    tpu.wait_dma2 semaphore(%arg8 : memref<!tpu.dma_semaphore, #tpu.memory_space<semaphore_mem>>) src(%dma_wait3A_124 : memref<128x64xf32, #tpu.memory_space<vmem>>) dst(%dma_wait3A_120 : memref<128x64xf32, #tpu.memory_space<hbm>>)
    %dma_wait3A_125 = arith.constant 1 : i32
    %dma_wait3A_126 = arith.constant 0 : i32
    %dma_wait3A_127 = arith.constant 0 : i32
    %dma_wait3A_128 = tpu.memref_slice %arg6[%dma_wait3A_125, %dma_wait3A_126, %dma_wait3A_127] : memref<8x128x64xf32, #tpu.memory_space<vmem>> -> memref<1x128x64xf32, #tpu.memory_space<vmem>>
    %dma_wait3A_129 = tpu.memref_squeeze %dma_wait3A_128 : memref<1x128x64xf32, #tpu.memory_space<vmem>> -> memref<128x64xf32, #tpu.memory_space<vmem>>
    %dma_wait3A_130 = arith.constant 24704 : i32
    %dma_wait3A_131 = tpu.memref_slice %arg5[%dma_wait3A_130] : memref<25600xi32, #tpu.memory_space<vmem>> -> memref<128xi32, #tpu.memory_space<vmem>>
    %dma_wait3A_132 = arith.constant 0 : i32
    %dma_wait3A_133 = arith.constant 0 : i32
    %dma_wait3A_134 = tpu.memref_slice %arg3[%dma_wait3A_132, %dma_wait3A_133] : memref<2000000x64xf32, #tpu.memory_space<hbm>> -> memref<2000000x64xf32, #tpu.memory_space<hbm>>
    tpu.wait_indirect_dma semaphore(%arg7 : memref<!tpu.dma_semaphore, #tpu.memory_space<semaphore_mem>>) src(%dma_wait3A_134 : memref<2000000x64xf32, #tpu.memory_space<hbm>>) dst(%dma_wait3A_129 : memref<128x64xf32, #tpu.memory_space<vmem>>)
    %add3A_135 = arith.constant 24704 : i32
    %add3A_136 = arith.addi %mul3A_2, %add3A_135 : i32
    %dma_start3A_137 = arith.constant 1 : i32
    %dma_start3A_138 = arith.constant 0 : i32
    %dma_start3A_139 = arith.constant 0 : i32
    %dma_start3A_140 = tpu.memref_slice %arg6[%dma_start3A_137, %dma_start3A_138, %dma_start3A_139] : memref<8x128x64xf32, #tpu.memory_space<vmem>> -> memref<1x128x64xf32, #tpu.memory_space<vmem>>
    %dma_start3A_141 = tpu.memref_squeeze %dma_start3A_140 : memref<1x128x64xf32, #tpu.memory_space<vmem>> -> memref<128x64xf32, #tpu.memory_space<vmem>>
    %dma_start3A_142 = arith.constant 0 : i32
    %dma_start3A_143 = tpu.memref_slice %arg4[%add3A_136, %dma_start3A_142] : memref<819200x128xf32, #tpu.memory_space<hbm>> -> memref<128x64xf32, #tpu.memory_space<hbm>>
    %dma_start3A_144 = arith.constant 0 : i32
    %dma_start3A_145 = tpu.memref_slice %arg4[%add3A_136, %dma_start3A_144] : memref<819200x128xf32, #tpu.memory_space<hbm>> -> memref<128x64xf32, #tpu.memory_space<hbm>>
    %dma_start3A_146 = arith.constant 0 : i32
    %dma_start3A_147 = arith.constant 0 : i32
    %dma_start3A_148 = tpu.memref_slice %arg6[%dma_start3A_137, %dma_start3A_146, %dma_start3A_147] : memref<8x128x64xf32, #tpu.memory_space<vmem>> -> memref<1x128x64xf32, #tpu.memory_space<vmem>>
    %dma_start3A_149 = tpu.memref_squeeze %dma_start3A_148 : memref<1x128x64xf32, #tpu.memory_space<vmem>> -> memref<128x64xf32, #tpu.memory_space<vmem>>
    tpu.enqueue_dma source(%dma_start3A_149 : memref<128x64xf32, #tpu.memory_space<vmem>>) target(%dma_start3A_145 : memref<128x64xf32, #tpu.memory_space<hbm>>) target_semaphore(%arg8 : memref<!tpu.dma_semaphore, #tpu.memory_space<semaphore_mem>>)
    %add3A_150 = arith.constant 24704 : i32
    %add3A_151 = arith.addi %mul3A_2, %add3A_150 : i32
    %dma_wait3A_152 = arith.constant 1 : i32
    %dma_wait3A_153 = arith.constant 0 : i32
    %dma_wait3A_154 = arith.constant 0 : i32
    %dma_wait3A_155 = tpu.memref_slice %arg6[%dma_wait3A_152, %dma_wait3A_153, %dma_wait3A_154] : memref<8x128x64xf32, #tpu.memory_space<vmem>> -> memref<1x128x64xf32, #tpu.memory_space<vmem>>
    %dma_wait3A_156 = tpu.memref_squeeze %dma_wait3A_155 : memref<1x128x64xf32, #tpu.memory_space<vmem>> -> memref<128x64xf32, #tpu.memory_space<vmem>>
    %dma_wait3A_157 = arith.constant 0 : i32
    %dma_wait3A_158 = tpu.memref_slice %arg4[%add3A_151, %dma_wait3A_157] : memref<819200x128xf32, #tpu.memory_space<hbm>> -> memref<128x64xf32, #tpu.memory_space<hbm>>
    %dma_wait3A_159 = arith.constant 0 : i32
    %dma_wait3A_160 = tpu.memref_slice %arg4[%add3A_151, %dma_wait3A_159] : memref<819200x128xf32, #tpu.memory_space<hbm>> -> memref<128x64xf32, #tpu.memory_space<hbm>>
    %dma_wait3A_161 = arith.constant 0 : i32
    %dma_wait3A_162 = arith.constant 0 : i32
    %dma_wait3A_163 = tpu.memref_slice %arg6[%dma_wait3A_152, %dma_wait3A_161, %dma_wait3A_162] : memref<8x128x64xf32, #tpu.memory_space<vmem>> -> memref<1x128x64xf32, #tpu.memory_space<vmem>>
    %dma_wait3A_164 = tpu.memref_squeeze %dma_wait3A_163 : memref<1x128x64xf32, #tpu.memory_space<vmem>> -> memref<128x64xf32, #tpu.memory_space<vmem>>
    tpu.wait_dma2 semaphore(%arg8 : memref<!tpu.dma_semaphore, #tpu.memory_space<semaphore_mem>>) src(%dma_wait3A_164 : memref<128x64xf32, #tpu.memory_space<vmem>>) dst(%dma_wait3A_160 : memref<128x64xf32, #tpu.memory_space<hbm>>)
    %dma_wait3A_165 = arith.constant 2 : i32
    %dma_wait3A_166 = arith.constant 0 : i32
    %dma_wait3A_167 = arith.constant 0 : i32
    %dma_wait3A_168 = tpu.memref_slice %arg6[%dma_wait3A_165, %dma_wait3A_166, %dma_wait3A_167] : memref<8x128x64xf32, #tpu.memory_space<vmem>> -> memref<1x128x64xf32, #tpu.memory_space<vmem>>
    %dma_wait3A_169 = tpu.memref_squeeze %dma_wait3A_168 : memref<1x128x64xf32, #tpu.memory_space<vmem>> -> memref<128x64xf32, #tpu.memory_space<vmem>>
    %dma_wait3A_170 = arith.constant 24832 : i32
    %dma_wait3A_171 = tpu.memref_slice %arg5[%dma_wait3A_170] : memref<25600xi32, #tpu.memory_space<vmem>> -> memref<128xi32, #tpu.memory_space<vmem>>
    %dma_wait3A_172 = arith.constant 0 : i32
    %dma_wait3A_173 = arith.constant 0 : i32
    %dma_wait3A_174 = tpu.memref_slice %arg3[%dma_wait3A_172, %dma_wait3A_173] : memref<2000000x64xf32, #tpu.memory_space<hbm>> -> memref<2000000x64xf32, #tpu.memory_space<hbm>>
    tpu.wait_indirect_dma semaphore(%arg7 : memref<!tpu.dma_semaphore, #tpu.memory_space<semaphore_mem>>) src(%dma_wait3A_174 : memref<2000000x64xf32, #tpu.memory_space<hbm>>) dst(%dma_wait3A_169 : memref<128x64xf32, #tpu.memory_space<vmem>>)
    %add3A_175 = arith.constant 24832 : i32
    %add3A_176 = arith.addi %mul3A_2, %add3A_175 : i32
    %dma_start3A_177 = arith.constant 2 : i32
    %dma_start3A_178 = arith.constant 0 : i32
    %dma_start3A_179 = arith.constant 0 : i32
    %dma_start3A_180 = tpu.memref_slice %arg6[%dma_start3A_177, %dma_start3A_178, %dma_start3A_179] : memref<8x128x64xf32, #tpu.memory_space<vmem>> -> memref<1x128x64xf32, #tpu.memory_space<vmem>>
    %dma_start3A_181 = tpu.memref_squeeze %dma_start3A_180 : memref<1x128x64xf32, #tpu.memory_space<vmem>> -> memref<128x64xf32, #tpu.memory_space<vmem>>
    %dma_start3A_182 = arith.constant 0 : i32
    %dma_start3A_183 = tpu.memref_slice %arg4[%add3A_176, %dma_start3A_182] : memref<819200x128xf32, #tpu.memory_space<hbm>> -> memref<128x64xf32, #tpu.memory_space<hbm>>
    %dma_start3A_184 = arith.constant 0 : i32
    %dma_start3A_185 = tpu.memref_slice %arg4[%add3A_176, %dma_start3A_184] : memref<819200x128xf32, #tpu.memory_space<hbm>> -> memref<128x64xf32, #tpu.memory_space<hbm>>
    %dma_start3A_186 = arith.constant 0 : i32
    %dma_start3A_187 = arith.constant 0 : i32
    %dma_start3A_188 = tpu.memref_slice %arg6[%dma_start3A_177, %dma_start3A_186, %dma_start3A_187] : memref<8x128x64xf32, #tpu.memory_space<vmem>> -> memref<1x128x64xf32, #tpu.memory_space<vmem>>
    %dma_start3A_189 = tpu.memref_squeeze %dma_start3A_188 : memref<1x128x64xf32, #tpu.memory_space<vmem>> -> memref<128x64xf32, #tpu.memory_space<vmem>>
    tpu.enqueue_dma source(%dma_start3A_189 : memref<128x64xf32, #tpu.memory_space<vmem>>) target(%dma_start3A_185 : memref<128x64xf32, #tpu.memory_space<hbm>>) target_semaphore(%arg8 : memref<!tpu.dma_semaphore, #tpu.memory_space<semaphore_mem>>)
    %add3A_190 = arith.constant 24832 : i32
    %add3A_191 = arith.addi %mul3A_2, %add3A_190 : i32
    %dma_wait3A_192 = arith.constant 2 : i32
    %dma_wait3A_193 = arith.constant 0 : i32
    %dma_wait3A_194 = arith.constant 0 : i32
    %dma_wait3A_195 = tpu.memref_slice %arg6[%dma_wait3A_192, %dma_wait3A_193, %dma_wait3A_194] : memref<8x128x64xf32, #tpu.memory_space<vmem>> -> memref<1x128x64xf32, #tpu.memory_space<vmem>>
    %dma_wait3A_196 = tpu.memref_squeeze %dma_wait3A_195 : memref<1x128x64xf32, #tpu.memory_space<vmem>> -> memref<128x64xf32, #tpu.memory_space<vmem>>
    %dma_wait3A_197 = arith.constant 0 : i32
    %dma_wait3A_198 = tpu.memref_slice %arg4[%add3A_191, %dma_wait3A_197] : memref<819200x128xf32, #tpu.memory_space<hbm>> -> memref<128x64xf32, #tpu.memory_space<hbm>>
    %dma_wait3A_199 = arith.constant 0 : i32
    %dma_wait3A_200 = tpu.memref_slice %arg4[%add3A_191, %dma_wait3A_199] : memref<819200x128xf32, #tpu.memory_space<hbm>> -> memref<128x64xf32, #tpu.memory_space<hbm>>
    %dma_wait3A_201 = arith.constant 0 : i32
    %dma_wait3A_202 = arith.constant 0 : i32
    %dma_wait3A_203 = tpu.memref_slice %arg6[%dma_wait3A_192, %dma_wait3A_201, %dma_wait3A_202] : memref<8x128x64xf32, #tpu.memory_space<vmem>> -> memref<1x128x64xf32, #tpu.memory_space<vmem>>
    %dma_wait3A_204 = tpu.memref_squeeze %dma_wait3A_203 : memref<1x128x64xf32, #tpu.memory_space<vmem>> -> memref<128x64xf32, #tpu.memory_space<vmem>>
    tpu.wait_dma2 semaphore(%arg8 : memref<!tpu.dma_semaphore, #tpu.memory_space<semaphore_mem>>) src(%dma_wait3A_204 : memref<128x64xf32, #tpu.memory_space<vmem>>) dst(%dma_wait3A_200 : memref<128x64xf32, #tpu.memory_space<hbm>>)
    %dma_wait3A_205 = arith.constant 3 : i32
    %dma_wait3A_206 = arith.constant 0 : i32
    %dma_wait3A_207 = arith.constant 0 : i32
    %dma_wait3A_208 = tpu.memref_slice %arg6[%dma_wait3A_205, %dma_wait3A_206, %dma_wait3A_207] : memref<8x128x64xf32, #tpu.memory_space<vmem>> -> memref<1x128x64xf32, #tpu.memory_space<vmem>>
    %dma_wait3A_209 = tpu.memref_squeeze %dma_wait3A_208 : memref<1x128x64xf32, #tpu.memory_space<vmem>> -> memref<128x64xf32, #tpu.memory_space<vmem>>
    %dma_wait3A_210 = arith.constant 24960 : i32
    %dma_wait3A_211 = tpu.memref_slice %arg5[%dma_wait3A_210] : memref<25600xi32, #tpu.memory_space<vmem>> -> memref<128xi32, #tpu.memory_space<vmem>>
    %dma_wait3A_212 = arith.constant 0 : i32
    %dma_wait3A_213 = arith.constant 0 : i32
    %dma_wait3A_214 = tpu.memref_slice %arg3[%dma_wait3A_212, %dma_wait3A_213] : memref<2000000x64xf32, #tpu.memory_space<hbm>> -> memref<2000000x64xf32, #tpu.memory_space<hbm>>
    tpu.wait_indirect_dma semaphore(%arg7 : memref<!tpu.dma_semaphore, #tpu.memory_space<semaphore_mem>>) src(%dma_wait3A_214 : memref<2000000x64xf32, #tpu.memory_space<hbm>>) dst(%dma_wait3A_209 : memref<128x64xf32, #tpu.memory_space<vmem>>)
    %add3A_215 = arith.constant 24960 : i32
    %add3A_216 = arith.addi %mul3A_2, %add3A_215 : i32
    %dma_start3A_217 = arith.constant 3 : i32
    %dma_start3A_218 = arith.constant 0 : i32
    %dma_start3A_219 = arith.constant 0 : i32
    %dma_start3A_220 = tpu.memref_slice %arg6[%dma_start3A_217, %dma_start3A_218, %dma_start3A_219] : memref<8x128x64xf32, #tpu.memory_space<vmem>> -> memref<1x128x64xf32, #tpu.memory_space<vmem>>
    %dma_start3A_221 = tpu.memref_squeeze %dma_start3A_220 : memref<1x128x64xf32, #tpu.memory_space<vmem>> -> memref<128x64xf32, #tpu.memory_space<vmem>>
    %dma_start3A_222 = arith.constant 0 : i32
    %dma_start3A_223 = tpu.memref_slice %arg4[%add3A_216, %dma_start3A_222] : memref<819200x128xf32, #tpu.memory_space<hbm>> -> memref<128x64xf32, #tpu.memory_space<hbm>>
    %dma_start3A_224 = arith.constant 0 : i32
    %dma_start3A_225 = tpu.memref_slice %arg4[%add3A_216, %dma_start3A_224] : memref<819200x128xf32, #tpu.memory_space<hbm>> -> memref<128x64xf32, #tpu.memory_space<hbm>>
    %dma_start3A_226 = arith.constant 0 : i32
    %dma_start3A_227 = arith.constant 0 : i32
    %dma_start3A_228 = tpu.memref_slice %arg6[%dma_start3A_217, %dma_start3A_226, %dma_start3A_227] : memref<8x128x64xf32, #tpu.memory_space<vmem>> -> memref<1x128x64xf32, #tpu.memory_space<vmem>>
    %dma_start3A_229 = tpu.memref_squeeze %dma_start3A_228 : memref<1x128x64xf32, #tpu.memory_space<vmem>> -> memref<128x64xf32, #tpu.memory_space<vmem>>
    tpu.enqueue_dma source(%dma_start3A_229 : memref<128x64xf32, #tpu.memory_space<vmem>>) target(%dma_start3A_225 : memref<128x64xf32, #tpu.memory_space<hbm>>) target_semaphore(%arg8 : memref<!tpu.dma_semaphore, #tpu.memory_space<semaphore_mem>>)
    %add3A_230 = arith.constant 24960 : i32
    %add3A_231 = arith.addi %mul3A_2, %add3A_230 : i32
    %dma_wait3A_232 = arith.constant 3 : i32
    %dma_wait3A_233 = arith.constant 0 : i32
    %dma_wait3A_234 = arith.constant 0 : i32
    %dma_wait3A_235 = tpu.memref_slice %arg6[%dma_wait3A_232, %dma_wait3A_233, %dma_wait3A_234] : memref<8x128x64xf32, #tpu.memory_space<vmem>> -> memref<1x128x64xf32, #tpu.memory_space<vmem>>
    %dma_wait3A_236 = tpu.memref_squeeze %dma_wait3A_235 : memref<1x128x64xf32, #tpu.memory_space<vmem>> -> memref<128x64xf32, #tpu.memory_space<vmem>>
    %dma_wait3A_237 = arith.constant 0 : i32
    %dma_wait3A_238 = tpu.memref_slice %arg4[%add3A_231, %dma_wait3A_237] : memref<819200x128xf32, #tpu.memory_space<hbm>> -> memref<128x64xf32, #tpu.memory_space<hbm>>
    %dma_wait3A_239 = arith.constant 0 : i32
    %dma_wait3A_240 = tpu.memref_slice %arg4[%add3A_231, %dma_wait3A_239] : memref<819200x128xf32, #tpu.memory_space<hbm>> -> memref<128x64xf32, #tpu.memory_space<hbm>>
    %dma_wait3A_241 = arith.constant 0 : i32
    %dma_wait3A_242 = arith.constant 0 : i32
    %dma_wait3A_243 = tpu.memref_slice %arg6[%dma_wait3A_232, %dma_wait3A_241, %dma_wait3A_242] : memref<8x128x64xf32, #tpu.memory_space<vmem>> -> memref<1x128x64xf32, #tpu.memory_space<vmem>>
    %dma_wait3A_244 = tpu.memref_squeeze %dma_wait3A_243 : memref<1x128x64xf32, #tpu.memory_space<vmem>> -> memref<128x64xf32, #tpu.memory_space<vmem>>
    tpu.wait_dma2 semaphore(%arg8 : memref<!tpu.dma_semaphore, #tpu.memory_space<semaphore_mem>>) src(%dma_wait3A_244 : memref<128x64xf32, #tpu.memory_space<vmem>>) dst(%dma_wait3A_240 : memref<128x64xf32, #tpu.memory_space<hbm>>)
    %dma_wait3A_245 = arith.constant 4 : i32
    %dma_wait3A_246 = arith.constant 0 : i32
    %dma_wait3A_247 = arith.constant 0 : i32
    %dma_wait3A_248 = tpu.memref_slice %arg6[%dma_wait3A_245, %dma_wait3A_246, %dma_wait3A_247] : memref<8x128x64xf32, #tpu.memory_space<vmem>> -> memref<1x128x64xf32, #tpu.memory_space<vmem>>
    %dma_wait3A_249 = tpu.memref_squeeze %dma_wait3A_248 : memref<1x128x64xf32, #tpu.memory_space<vmem>> -> memref<128x64xf32, #tpu.memory_space<vmem>>
    %dma_wait3A_250 = arith.constant 25088 : i32
    %dma_wait3A_251 = tpu.memref_slice %arg5[%dma_wait3A_250] : memref<25600xi32, #tpu.memory_space<vmem>> -> memref<128xi32, #tpu.memory_space<vmem>>
    %dma_wait3A_252 = arith.constant 0 : i32
    %dma_wait3A_253 = arith.constant 0 : i32
    %dma_wait3A_254 = tpu.memref_slice %arg3[%dma_wait3A_252, %dma_wait3A_253] : memref<2000000x64xf32, #tpu.memory_space<hbm>> -> memref<2000000x64xf32, #tpu.memory_space<hbm>>
    tpu.wait_indirect_dma semaphore(%arg7 : memref<!tpu.dma_semaphore, #tpu.memory_space<semaphore_mem>>) src(%dma_wait3A_254 : memref<2000000x64xf32, #tpu.memory_space<hbm>>) dst(%dma_wait3A_249 : memref<128x64xf32, #tpu.memory_space<vmem>>)
    %add3A_255 = arith.constant 25088 : i32
    %add3A_256 = arith.addi %mul3A_2, %add3A_255 : i32
    %dma_start3A_257 = arith.constant 4 : i32
    %dma_start3A_258 = arith.constant 0 : i32
    %dma_start3A_259 = arith.constant 0 : i32
    %dma_start3A_260 = tpu.memref_slice %arg6[%dma_start3A_257, %dma_start3A_258, %dma_start3A_259] : memref<8x128x64xf32, #tpu.memory_space<vmem>> -> memref<1x128x64xf32, #tpu.memory_space<vmem>>
    %dma_start3A_261 = tpu.memref_squeeze %dma_start3A_260 : memref<1x128x64xf32, #tpu.memory_space<vmem>> -> memref<128x64xf32, #tpu.memory_space<vmem>>
    %dma_start3A_262 = arith.constant 0 : i32
    %dma_start3A_263 = tpu.memref_slice %arg4[%add3A_256, %dma_start3A_262] : memref<819200x128xf32, #tpu.memory_space<hbm>> -> memref<128x64xf32, #tpu.memory_space<hbm>>
    %dma_start3A_264 = arith.constant 0 : i32
    %dma_start3A_265 = tpu.memref_slice %arg4[%add3A_256, %dma_start3A_264] : memref<819200x128xf32, #tpu.memory_space<hbm>> -> memref<128x64xf32, #tpu.memory_space<hbm>>
    %dma_start3A_266 = arith.constant 0 : i32
    %dma_start3A_267 = arith.constant 0 : i32
    %dma_start3A_268 = tpu.memref_slice %arg6[%dma_start3A_257, %dma_start3A_266, %dma_start3A_267] : memref<8x128x64xf32, #tpu.memory_space<vmem>> -> memref<1x128x64xf32, #tpu.memory_space<vmem>>
    %dma_start3A_269 = tpu.memref_squeeze %dma_start3A_268 : memref<1x128x64xf32, #tpu.memory_space<vmem>> -> memref<128x64xf32, #tpu.memory_space<vmem>>
    tpu.enqueue_dma source(%dma_start3A_269 : memref<128x64xf32, #tpu.memory_space<vmem>>) target(%dma_start3A_265 : memref<128x64xf32, #tpu.memory_space<hbm>>) target_semaphore(%arg8 : memref<!tpu.dma_semaphore, #tpu.memory_space<semaphore_mem>>)
    %add3A_270 = arith.constant 25088 : i32
    %add3A_271 = arith.addi %mul3A_2, %add3A_270 : i32
    %dma_wait3A_272 = arith.constant 4 : i32
    %dma_wait3A_273 = arith.constant 0 : i32
    %dma_wait3A_274 = arith.constant 0 : i32
    %dma_wait3A_275 = tpu.memref_slice %arg6[%dma_wait3A_272, %dma_wait3A_273, %dma_wait3A_274] : memref<8x128x64xf32, #tpu.memory_space<vmem>> -> memref<1x128x64xf32, #tpu.memory_space<vmem>>
    %dma_wait3A_276 = tpu.memref_squeeze %dma_wait3A_275 : memref<1x128x64xf32, #tpu.memory_space<vmem>> -> memref<128x64xf32, #tpu.memory_space<vmem>>
    %dma_wait3A_277 = arith.constant 0 : i32
    %dma_wait3A_278 = tpu.memref_slice %arg4[%add3A_271, %dma_wait3A_277] : memref<819200x128xf32, #tpu.memory_space<hbm>> -> memref<128x64xf32, #tpu.memory_space<hbm>>
    %dma_wait3A_279 = arith.constant 0 : i32
    %dma_wait3A_280 = tpu.memref_slice %arg4[%add3A_271, %dma_wait3A_279] : memref<819200x128xf32, #tpu.memory_space<hbm>> -> memref<128x64xf32, #tpu.memory_space<hbm>>
    %dma_wait3A_281 = arith.constant 0 : i32
    %dma_wait3A_282 = arith.constant 0 : i32
    %dma_wait3A_283 = tpu.memref_slice %arg6[%dma_wait3A_272, %dma_wait3A_281, %dma_wait3A_282] : memref<8x128x64xf32, #tpu.memory_space<vmem>> -> memref<1x128x64xf32, #tpu.memory_space<vmem>>
    %dma_wait3A_284 = tpu.memref_squeeze %dma_wait3A_283 : memref<1x128x64xf32, #tpu.memory_space<vmem>> -> memref<128x64xf32, #tpu.memory_space<vmem>>
    tpu.wait_dma2 semaphore(%arg8 : memref<!tpu.dma_semaphore, #tpu.memory_space<semaphore_mem>>) src(%dma_wait3A_284 : memref<128x64xf32, #tpu.memory_space<vmem>>) dst(%dma_wait3A_280 : memref<128x64xf32, #tpu.memory_space<hbm>>)
    %dma_wait3A_285 = arith.constant 5 : i32
    %dma_wait3A_286 = arith.constant 0 : i32
    %dma_wait3A_287 = arith.constant 0 : i32
    %dma_wait3A_288 = tpu.memref_slice %arg6[%dma_wait3A_285, %dma_wait3A_286, %dma_wait3A_287] : memref<8x128x64xf32, #tpu.memory_space<vmem>> -> memref<1x128x64xf32, #tpu.memory_space<vmem>>
    %dma_wait3A_289 = tpu.memref_squeeze %dma_wait3A_288 : memref<1x128x64xf32, #tpu.memory_space<vmem>> -> memref<128x64xf32, #tpu.memory_space<vmem>>
    %dma_wait3A_290 = arith.constant 25216 : i32
    %dma_wait3A_291 = tpu.memref_slice %arg5[%dma_wait3A_290] : memref<25600xi32, #tpu.memory_space<vmem>> -> memref<128xi32, #tpu.memory_space<vmem>>
    %dma_wait3A_292 = arith.constant 0 : i32
    %dma_wait3A_293 = arith.constant 0 : i32
    %dma_wait3A_294 = tpu.memref_slice %arg3[%dma_wait3A_292, %dma_wait3A_293] : memref<2000000x64xf32, #tpu.memory_space<hbm>> -> memref<2000000x64xf32, #tpu.memory_space<hbm>>
    tpu.wait_indirect_dma semaphore(%arg7 : memref<!tpu.dma_semaphore, #tpu.memory_space<semaphore_mem>>) src(%dma_wait3A_294 : memref<2000000x64xf32, #tpu.memory_space<hbm>>) dst(%dma_wait3A_289 : memref<128x64xf32, #tpu.memory_space<vmem>>)
    %add3A_295 = arith.constant 25216 : i32
    %add3A_296 = arith.addi %mul3A_2, %add3A_295 : i32
    %dma_start3A_297 = arith.constant 5 : i32
    %dma_start3A_298 = arith.constant 0 : i32
    %dma_start3A_299 = arith.constant 0 : i32
    %dma_start3A_300 = tpu.memref_slice %arg6[%dma_start3A_297, %dma_start3A_298, %dma_start3A_299] : memref<8x128x64xf32, #tpu.memory_space<vmem>> -> memref<1x128x64xf32, #tpu.memory_space<vmem>>
    %dma_start3A_301 = tpu.memref_squeeze %dma_start3A_300 : memref<1x128x64xf32, #tpu.memory_space<vmem>> -> memref<128x64xf32, #tpu.memory_space<vmem>>
    %dma_start3A_302 = arith.constant 0 : i32
    %dma_start3A_303 = tpu.memref_slice %arg4[%add3A_296, %dma_start3A_302] : memref<819200x128xf32, #tpu.memory_space<hbm>> -> memref<128x64xf32, #tpu.memory_space<hbm>>
    %dma_start3A_304 = arith.constant 0 : i32
    %dma_start3A_305 = tpu.memref_slice %arg4[%add3A_296, %dma_start3A_304] : memref<819200x128xf32, #tpu.memory_space<hbm>> -> memref<128x64xf32, #tpu.memory_space<hbm>>
    %dma_start3A_306 = arith.constant 0 : i32
    %dma_start3A_307 = arith.constant 0 : i32
    %dma_start3A_308 = tpu.memref_slice %arg6[%dma_start3A_297, %dma_start3A_306, %dma_start3A_307] : memref<8x128x64xf32, #tpu.memory_space<vmem>> -> memref<1x128x64xf32, #tpu.memory_space<vmem>>
    %dma_start3A_309 = tpu.memref_squeeze %dma_start3A_308 : memref<1x128x64xf32, #tpu.memory_space<vmem>> -> memref<128x64xf32, #tpu.memory_space<vmem>>
    tpu.enqueue_dma source(%dma_start3A_309 : memref<128x64xf32, #tpu.memory_space<vmem>>) target(%dma_start3A_305 : memref<128x64xf32, #tpu.memory_space<hbm>>) target_semaphore(%arg8 : memref<!tpu.dma_semaphore, #tpu.memory_space<semaphore_mem>>)
    %add3A_310 = arith.constant 25216 : i32
    %add3A_311 = arith.addi %mul3A_2, %add3A_310 : i32
    %dma_wait3A_312 = arith.constant 5 : i32
    %dma_wait3A_313 = arith.constant 0 : i32
    %dma_wait3A_314 = arith.constant 0 : i32
    %dma_wait3A_315 = tpu.memref_slice %arg6[%dma_wait3A_312, %dma_wait3A_313, %dma_wait3A_314] : memref<8x128x64xf32, #tpu.memory_space<vmem>> -> memref<1x128x64xf32, #tpu.memory_space<vmem>>
    %dma_wait3A_316 = tpu.memref_squeeze %dma_wait3A_315 : memref<1x128x64xf32, #tpu.memory_space<vmem>> -> memref<128x64xf32, #tpu.memory_space<vmem>>
    %dma_wait3A_317 = arith.constant 0 : i32
    %dma_wait3A_318 = tpu.memref_slice %arg4[%add3A_311, %dma_wait3A_317] : memref<819200x128xf32, #tpu.memory_space<hbm>> -> memref<128x64xf32, #tpu.memory_space<hbm>>
    %dma_wait3A_319 = arith.constant 0 : i32
    %dma_wait3A_320 = tpu.memref_slice %arg4[%add3A_311, %dma_wait3A_319] : memref<819200x128xf32, #tpu.memory_space<hbm>> -> memref<128x64xf32, #tpu.memory_space<hbm>>
    %dma_wait3A_321 = arith.constant 0 : i32
    %dma_wait3A_322 = arith.constant 0 : i32
    %dma_wait3A_323 = tpu.memref_slice %arg6[%dma_wait3A_312, %dma_wait3A_321, %dma_wait3A_322] : memref<8x128x64xf32, #tpu.memory_space<vmem>> -> memref<1x128x64xf32, #tpu.memory_space<vmem>>
    %dma_wait3A_324 = tpu.memref_squeeze %dma_wait3A_323 : memref<1x128x64xf32, #tpu.memory_space<vmem>> -> memref<128x64xf32, #tpu.memory_space<vmem>>
    tpu.wait_dma2 semaphore(%arg8 : memref<!tpu.dma_semaphore, #tpu.memory_space<semaphore_mem>>) src(%dma_wait3A_324 : memref<128x64xf32, #tpu.memory_space<vmem>>) dst(%dma_wait3A_320 : memref<128x64xf32, #tpu.memory_space<hbm>>)
    %dma_wait3A_325 = arith.constant 6 : i32
    %dma_wait3A_326 = arith.constant 0 : i32
    %dma_wait3A_327 = arith.constant 0 : i32
    %dma_wait3A_328 = tpu.memref_slice %arg6[%dma_wait3A_325, %dma_wait3A_326, %dma_wait3A_327] : memref<8x128x64xf32, #tpu.memory_space<vmem>> -> memref<1x128x64xf32, #tpu.memory_space<vmem>>
    %dma_wait3A_329 = tpu.memref_squeeze %dma_wait3A_328 : memref<1x128x64xf32, #tpu.memory_space<vmem>> -> memref<128x64xf32, #tpu.memory_space<vmem>>
    %dma_wait3A_330 = arith.constant 25344 : i32
    %dma_wait3A_331 = tpu.memref_slice %arg5[%dma_wait3A_330] : memref<25600xi32, #tpu.memory_space<vmem>> -> memref<128xi32, #tpu.memory_space<vmem>>
    %dma_wait3A_332 = arith.constant 0 : i32
    %dma_wait3A_333 = arith.constant 0 : i32
    %dma_wait3A_334 = tpu.memref_slice %arg3[%dma_wait3A_332, %dma_wait3A_333] : memref<2000000x64xf32, #tpu.memory_space<hbm>> -> memref<2000000x64xf32, #tpu.memory_space<hbm>>
    tpu.wait_indirect_dma semaphore(%arg7 : memref<!tpu.dma_semaphore, #tpu.memory_space<semaphore_mem>>) src(%dma_wait3A_334 : memref<2000000x64xf32, #tpu.memory_space<hbm>>) dst(%dma_wait3A_329 : memref<128x64xf32, #tpu.memory_space<vmem>>)
    %add3A_335 = arith.constant 25344 : i32
    %add3A_336 = arith.addi %mul3A_2, %add3A_335 : i32
    %dma_start3A_337 = arith.constant 6 : i32
    %dma_start3A_338 = arith.constant 0 : i32
    %dma_start3A_339 = arith.constant 0 : i32
    %dma_start3A_340 = tpu.memref_slice %arg6[%dma_start3A_337, %dma_start3A_338, %dma_start3A_339] : memref<8x128x64xf32, #tpu.memory_space<vmem>> -> memref<1x128x64xf32, #tpu.memory_space<vmem>>
    %dma_start3A_341 = tpu.memref_squeeze %dma_start3A_340 : memref<1x128x64xf32, #tpu.memory_space<vmem>> -> memref<128x64xf32, #tpu.memory_space<vmem>>
    %dma_start3A_342 = arith.constant 0 : i32
    %dma_start3A_343 = tpu.memref_slice %arg4[%add3A_336, %dma_start3A_342] : memref<819200x128xf32, #tpu.memory_space<hbm>> -> memref<128x64xf32, #tpu.memory_space<hbm>>
    %dma_start3A_344 = arith.constant 0 : i32
    %dma_start3A_345 = tpu.memref_slice %arg4[%add3A_336, %dma_start3A_344] : memref<819200x128xf32, #tpu.memory_space<hbm>> -> memref<128x64xf32, #tpu.memory_space<hbm>>
    %dma_start3A_346 = arith.constant 0 : i32
    %dma_start3A_347 = arith.constant 0 : i32
    %dma_start3A_348 = tpu.memref_slice %arg6[%dma_start3A_337, %dma_start3A_346, %dma_start3A_347] : memref<8x128x64xf32, #tpu.memory_space<vmem>> -> memref<1x128x64xf32, #tpu.memory_space<vmem>>
    %dma_start3A_349 = tpu.memref_squeeze %dma_start3A_348 : memref<1x128x64xf32, #tpu.memory_space<vmem>> -> memref<128x64xf32, #tpu.memory_space<vmem>>
    tpu.enqueue_dma source(%dma_start3A_349 : memref<128x64xf32, #tpu.memory_space<vmem>>) target(%dma_start3A_345 : memref<128x64xf32, #tpu.memory_space<hbm>>) target_semaphore(%arg8 : memref<!tpu.dma_semaphore, #tpu.memory_space<semaphore_mem>>)
    %add3A_350 = arith.constant 25344 : i32
    %add3A_351 = arith.addi %mul3A_2, %add3A_350 : i32
    %dma_wait3A_352 = arith.constant 6 : i32
    %dma_wait3A_353 = arith.constant 0 : i32
    %dma_wait3A_354 = arith.constant 0 : i32
    %dma_wait3A_355 = tpu.memref_slice %arg6[%dma_wait3A_352, %dma_wait3A_353, %dma_wait3A_354] : memref<8x128x64xf32, #tpu.memory_space<vmem>> -> memref<1x128x64xf32, #tpu.memory_space<vmem>>
    %dma_wait3A_356 = tpu.memref_squeeze %dma_wait3A_355 : memref<1x128x64xf32, #tpu.memory_space<vmem>> -> memref<128x64xf32, #tpu.memory_space<vmem>>
    %dma_wait3A_357 = arith.constant 0 : i32
    %dma_wait3A_358 = tpu.memref_slice %arg4[%add3A_351, %dma_wait3A_357] : memref<819200x128xf32, #tpu.memory_space<hbm>> -> memref<128x64xf32, #tpu.memory_space<hbm>>
    %dma_wait3A_359 = arith.constant 0 : i32
    %dma_wait3A_360 = tpu.memref_slice %arg4[%add3A_351, %dma_wait3A_359] : memref<819200x128xf32, #tpu.memory_space<hbm>> -> memref<128x64xf32, #tpu.memory_space<hbm>>
    %dma_wait3A_361 = arith.constant 0 : i32
    %dma_wait3A_362 = arith.constant 0 : i32
    %dma_wait3A_363 = tpu.memref_slice %arg6[%dma_wait3A_352, %dma_wait3A_361, %dma_wait3A_362] : memref<8x128x64xf32, #tpu.memory_space<vmem>> -> memref<1x128x64xf32, #tpu.memory_space<vmem>>
    %dma_wait3A_364 = tpu.memref_squeeze %dma_wait3A_363 : memref<1x128x64xf32, #tpu.memory_space<vmem>> -> memref<128x64xf32, #tpu.memory_space<vmem>>
    tpu.wait_dma2 semaphore(%arg8 : memref<!tpu.dma_semaphore, #tpu.memory_space<semaphore_mem>>) src(%dma_wait3A_364 : memref<128x64xf32, #tpu.memory_space<vmem>>) dst(%dma_wait3A_360 : memref<128x64xf32, #tpu.memory_space<hbm>>)
    %dma_wait3A_365 = arith.constant 7 : i32
    %dma_wait3A_366 = arith.constant 0 : i32
    %dma_wait3A_367 = arith.constant 0 : i32
    %dma_wait3A_368 = tpu.memref_slice %arg6[%dma_wait3A_365, %dma_wait3A_366, %dma_wait3A_367] : memref<8x128x64xf32, #tpu.memory_space<vmem>> -> memref<1x128x64xf32, #tpu.memory_space<vmem>>
    %dma_wait3A_369 = tpu.memref_squeeze %dma_wait3A_368 : memref<1x128x64xf32, #tpu.memory_space<vmem>> -> memref<128x64xf32, #tpu.memory_space<vmem>>
    %dma_wait3A_370 = arith.constant 25472 : i32
    %dma_wait3A_371 = tpu.memref_slice %arg5[%dma_wait3A_370] : memref<25600xi32, #tpu.memory_space<vmem>> -> memref<128xi32, #tpu.memory_space<vmem>>
    %dma_wait3A_372 = arith.constant 0 : i32
    %dma_wait3A_373 = arith.constant 0 : i32
    %dma_wait3A_374 = tpu.memref_slice %arg3[%dma_wait3A_372, %dma_wait3A_373] : memref<2000000x64xf32, #tpu.memory_space<hbm>> -> memref<2000000x64xf32, #tpu.memory_space<hbm>>
    tpu.wait_indirect_dma semaphore(%arg7 : memref<!tpu.dma_semaphore, #tpu.memory_space<semaphore_mem>>) src(%dma_wait3A_374 : memref<2000000x64xf32, #tpu.memory_space<hbm>>) dst(%dma_wait3A_369 : memref<128x64xf32, #tpu.memory_space<vmem>>)
    %add3A_375 = arith.constant 25472 : i32
    %add3A_376 = arith.addi %mul3A_2, %add3A_375 : i32
    %dma_start3A_377 = arith.constant 7 : i32
    %dma_start3A_378 = arith.constant 0 : i32
    %dma_start3A_379 = arith.constant 0 : i32
    %dma_start3A_380 = tpu.memref_slice %arg6[%dma_start3A_377, %dma_start3A_378, %dma_start3A_379] : memref<8x128x64xf32, #tpu.memory_space<vmem>> -> memref<1x128x64xf32, #tpu.memory_space<vmem>>
    %dma_start3A_381 = tpu.memref_squeeze %dma_start3A_380 : memref<1x128x64xf32, #tpu.memory_space<vmem>> -> memref<128x64xf32, #tpu.memory_space<vmem>>
    %dma_start3A_382 = arith.constant 0 : i32
    %dma_start3A_383 = tpu.memref_slice %arg4[%add3A_376, %dma_start3A_382] : memref<819200x128xf32, #tpu.memory_space<hbm>> -> memref<128x64xf32, #tpu.memory_space<hbm>>
    %dma_start3A_384 = arith.constant 0 : i32
    %dma_start3A_385 = tpu.memref_slice %arg4[%add3A_376, %dma_start3A_384] : memref<819200x128xf32, #tpu.memory_space<hbm>> -> memref<128x64xf32, #tpu.memory_space<hbm>>
    %dma_start3A_386 = arith.constant 0 : i32
    %dma_start3A_387 = arith.constant 0 : i32
    %dma_start3A_388 = tpu.memref_slice %arg6[%dma_start3A_377, %dma_start3A_386, %dma_start3A_387] : memref<8x128x64xf32, #tpu.memory_space<vmem>> -> memref<1x128x64xf32, #tpu.memory_space<vmem>>
    %dma_start3A_389 = tpu.memref_squeeze %dma_start3A_388 : memref<1x128x64xf32, #tpu.memory_space<vmem>> -> memref<128x64xf32, #tpu.memory_space<vmem>>
    tpu.enqueue_dma source(%dma_start3A_389 : memref<128x64xf32, #tpu.memory_space<vmem>>) target(%dma_start3A_385 : memref<128x64xf32, #tpu.memory_space<hbm>>) target_semaphore(%arg8 : memref<!tpu.dma_semaphore, #tpu.memory_space<semaphore_mem>>)
    %add3A_390 = arith.constant 25472 : i32
    %add3A_391 = arith.addi %mul3A_2, %add3A_390 : i32
    %dma_wait3A_392 = arith.constant 7 : i32
    %dma_wait3A_393 = arith.constant 0 : i32
    %dma_wait3A_394 = arith.constant 0 : i32
    %dma_wait3A_395 = tpu.memref_slice %arg6[%dma_wait3A_392, %dma_wait3A_393, %dma_wait3A_394] : memref<8x128x64xf32, #tpu.memory_space<vmem>> -> memref<1x128x64xf32, #tpu.memory_space<vmem>>
    %dma_wait3A_396 = tpu.memref_squeeze %dma_wait3A_395 : memref<1x128x64xf32, #tpu.memory_space<vmem>> -> memref<128x64xf32, #tpu.memory_space<vmem>>
    %dma_wait3A_397 = arith.constant 0 : i32
    %dma_wait3A_398 = tpu.memref_slice %arg4[%add3A_391, %dma_wait3A_397] : memref<819200x128xf32, #tpu.memory_space<hbm>> -> memref<128x64xf32, #tpu.memory_space<hbm>>
    %dma_wait3A_399 = arith.constant 0 : i32
    %dma_wait3A_400 = tpu.memref_slice %arg4[%add3A_391, %dma_wait3A_399] : memref<819200x128xf32, #tpu.memory_space<hbm>> -> memref<128x64xf32, #tpu.memory_space<hbm>>
    %dma_wait3A_401 = arith.constant 0 : i32
    %dma_wait3A_402 = arith.constant 0 : i32
    %dma_wait3A_403 = tpu.memref_slice %arg6[%dma_wait3A_392, %dma_wait3A_401, %dma_wait3A_402] : memref<8x128x64xf32, #tpu.memory_space<vmem>> -> memref<1x128x64xf32, #tpu.memory_space<vmem>>
    %dma_wait3A_404 = tpu.memref_squeeze %dma_wait3A_403 : memref<1x128x64xf32, #tpu.memory_space<vmem>> -> memref<128x64xf32, #tpu.memory_space<vmem>>
    tpu.wait_dma2 semaphore(%arg8 : memref<!tpu.dma_semaphore, #tpu.memory_space<semaphore_mem>>) src(%dma_wait3A_404 : memref<128x64xf32, #tpu.memory_space<vmem>>) dst(%dma_wait3A_400 : memref<128x64xf32, #tpu.memory_space<hbm>>)
    return
  }
}

</mosaic_0001>

<sc_bundles>
// kernel: kernel.3.cloned.1.call-start
scs
__scs_entry_jumppad:
0x0: {  	(pc) =	sbr.rel $0x88, $3  }
0x1: {  	(tag) =	ssettag $0x0;
	lr =	simm.s32 $0x1  }
0x2: {  	[smem:$0x3F9F] =	sst lr;
	_ =	strace $0xD0000000  }
0x3: {  	_ = 	snop  }
0x4: {  	_ = 	snop  }
0x5: {  	_ = 	snop  }
0x6: {  	_ = 	snop  }
0x7: {  	_ = 	snop  }
__scs_overlays_trampoline_lowered:
0x8: {  	[smem:$0x3FAE] =	sst s0  }
0x9: {  	[smem:$0x3FAF] =	sst s1  }
0xa: {  	[smem:$0x3FB0] =	sst s2  }
0xb: {  	[smem:$0x3FB1] =	sst s3  }
0xc: {  	[smem:$0x3FB2] =	sst s4  }
0xd: {  	[smem:$0x3FB3] =	sst s5  }
0xe: {  	[smem:$0x3FB4] =	sst s6  }
0xf: {  	[smem:$0x3FB5] =	sst s7  }
0x10: {  	[smem:$0x3FB6] =	sst s8  }
0x11: {  	[smem:$0x3FB7] =	sst s9;
	s0 =	simm.s32 @!p0 $0x0  }
0x12: {  	s1 =	sld [smem:$0x3F9D];
	s0 =	simm.s32 @p0 $0x1  }
0x13: {  	[smem:$0x3FB8] =	sst s0;
	s0 =	simm.s32 @!p1 $0x0  }
0x14: {  	s2 =	sld [smem:$0x3F9C];
	s0 =	simm.s32 @p1 $0x1  }
0x15: {  	[smem:$0x3FB9] =	sst s0;
	s0 =	simm.s32 @!p2 $0x0  }
0x16: {  	s3 =	sld [smem:$0x3FDB];
	s0 =	simm.s32 @p2 $0x1  }
0x17: {  	s4 =	simm.s32 $0x1BF5;
	[smem:$0x3FBB] =	sst s0  }
0x18: {  	s0 =	sld [smem:$0x3F9E];
	_ =	swait.ge [sflag:s4], $0x0  }
0x19: {  	s7 =	sld [smem:$0x3F9F]  }
0x1a: {  	s8 =	sadd.s32 $0xFFFFE003, lr  }
0x1b: {  	s9 =	sadd.s32 $0xFFFFFEF7, lr;
	s5 =	simm.s32 $0xFFFFFFFF;
	p2 =	slt.u32 s8, $0xFFFFF086  }
0x1c: {  	p1 =	slt.u32 s9, $0xF7A;
	s5 =	simm.s32 @!p2 $0x0  }
0x1d: {  	s5 =	simm.s32 @p1 $0x1;
	p0 =	seq.s32 s7, s2  }
0x1e: {  	s7 =	smul.u32 @!p0 $0xF7A, s2;
	p2 =	seq.s32 @!p0 s5, $0x0  }
0x1f: {  	s9 =	smul.u32 $0xF7A, s1;
	s8 =	simm.s32 @!p0 $0x1BF5;
	p2 =	por !p2, p0  }
0x20: {  	[sflag:s8] =	ssyncset.s32 @!p0 $0xFFFFF086;
	s6 =	sadd.s32 @!p0 s3, s7;
	s7 =	simm.s32 @!p0 $0x108  }
0x21: {  	s3 =	sadd.s32 s3, s9;
	s6 =	sadd.s32 @!p0 $0x88, s6;
	s7 =	simm.s32 @p2 $0x1082  }
0x22: {  	[simem:s7], [sflag:s8] =	dma.local @!p0 [hbm:s6], $0xF7A  }
0x23: {  	s9 =	sor.u32 $0xD0000000, s2;
	s6 =	simm.s32 $0x108;
	_ =	swait.ge @!p0 [sflag:s8], $0x0  }
0x24: {  	s3 =	sadd.s32 $0x88, s3;
	s6 =	simm.s32 @!p1 $0x1082;
	[sflag:s4] =	ssyncset.s32 $0xFFFFF086  }
0x25: {  	[simem:s6], [sflag:s4] =	dma.local [hbm:s3], $0xF7A  }
0x26: {  	[smem:$0x3F9F] =	sst s1;
	(tag) =	ssettag s2;
	_ =	strace s9  }
0x27: {  	s1 =	sld [smem:$0x3FAF]  }
0x28: {  	s2 =	sld [smem:$0x3FB0]  }
0x29: {  	s4 =	sld [smem:$0x3FB2]  }
0x2a: {  	p0 =	seq.s32 s5, $0x0;
	s5 =	sld [smem:$0x3FB3]  }
0x2b: {  	s6 =	sld [smem:$0x3FB4]  }
0x2c: {  	s7 =	sld [smem:$0x3FB5]  }
0x2d: {  	s3 =	simm.s32 $0x108;
	s8 =	sld [smem:$0x3FB6]  }
0x2e: {  	s3 =	simm.s32 @!p0 $0x1082;
	s9 =	sld [smem:$0x3FB7]  }
0x2f: {  	lr =	sadd.s32 s0, s3;
	s0 =	sld [smem:$0x3FAE]  }
0x30: {  	s3 =	sld [smem:$0x3FB1]  }
0x31: {  	[smem:$0x3FBA] =	sst s10  }
0x32: {  	s10 =	sld [smem:$0x3FB8];
	_ =	sdelay $0x3  }
0x33: {  	p0 =	seq.s32 s10, $0x1;
	s10 =	sld [smem:$0x3FBA];
	_ =	sdelay $0x3  }
0x34: {  	[smem:$0x3FBA] =	sst s10  }
0x35: {  	s10 =	sld [smem:$0x3FB9];
	_ =	sdelay $0x3  }
0x36: {  	p1 =	seq.s32 s10, $0x1;
	s10 =	sld [smem:$0x3FBA];
	_ =	sdelay $0x3  }
0x37: {  	[smem:$0x3FBA] =	sst s10  }
0x38: {  	s10 =	sld [smem:$0x3FBB]  }
0x39: {  	_ = 	snop;
	(pc) =	sbr.ind lr, $3  }
0x3a: {  	_ = 	snop  }
0x3b: {  	_ = 	snop  }
0x3c: {  	p2 =	seq.s32 s10, $0x1;
	s10 =	sld [smem:$0x3FBA]  }
0x3d: {  	_ =	shalt  }
0x3e: {  	_ =	shalt  }
0x3f: {  	_ =	shalt  }
0x40: {  	_ =	shalt  }
0x41: {  	_ =	shalt  }
0x42: {  	_ =	shalt  }
0x43: {  	_ =	shalt  }
0x44: {  	_ =	shalt  }
0x45: {  	_ =	shalt  }
0x46: {  	_ =	shalt  }
0x47: {  	_ =	shalt  }
0x48: {  	_ =	shalt  }
0x49: {  	_ =	shalt  }
0x4a: {  	_ =	shalt  }
0x4b: {  	_ =	shalt  }
0x4c: {  	_ =	shalt  }
0x4d: {  	_ =	shalt  }
0x4e: {  	_ =	shalt  }
0x4f: {  	_ =	shalt  }
0x50: {  	_ =	shalt  }
0x51: {  	_ =	shalt  }
0x52: {  	_ =	shalt  }
0x53: {  	_ =	shalt  }
0x54: {  	_ =	shalt  }
0x55: {  	_ =	shalt  }
0x56: {  	_ =	shalt  }
0x57: {  	_ =	shalt  }
0x58: {  	_ =	shalt  }
0x59: {  	_ =	shalt  }
0x5a: {  	_ =	shalt  }
0x5b: {  	_ =	shalt  }
0x5c: {  	_ =	shalt  }
0x5d: {  	_ =	shalt  }
0x5e: {  	_ =	shalt  }
0x5f: {  	_ =	shalt  }
0x60: {  	_ =	shalt  }
0x61: {  	_ =	shalt  }
0x62: {  	_ =	shalt  }
0x63: {  	_ =	shalt  }
0x64: {  	_ =	shalt  }
0x65: {  	_ =	shalt  }
0x66: {  	_ =	shalt  }
0x67: {  	_ =	shalt  }
0x68: {  	_ =	shalt  }
0x69: {  	_ =	shalt  }
0x6a: {  	_ =	shalt  }
0x6b: {  	_ =	shalt  }
0x6c: {  	_ =	shalt  }
0x6d: {  	_ =	shalt  }
0x6e: {  	_ =	shalt  }
0x6f: {  	_ =	shalt  }
0x70: {  	_ =	shalt  }
0x71: {  	_ =	shalt  }
0x72: {  	_ =	shalt  }
0x73: {  	_ =	shalt  }
0x74: {  	_ =	shalt  }
0x75: {  	_ =	shalt  }
0x76: {  	_ =	shalt  }
0x77: {  	_ =	shalt  }
0x78: {  	_ =	shalt  }
0x79: {  	_ =	shalt  }
0x7a: {  	_ =	shalt  }
0x7b: {  	_ =	shalt  }
0x7c: {  	_ =	shalt  }
0x7d: {  	_ =	shalt  }
0x7e: {  	_ =	shalt  }
0x7f: {  	_ =	shalt  }
0x80: {  	_ =	shalt  }
0x81: {  	_ =	shalt  }
0x82: {  	_ =	shalt  }
0x83: {  	_ =	shalt  }
0x84: {  	_ =	shalt  }
0x85: {  	_ =	shalt  }
0x86: {  	_ =	shalt  }
0x87: {  	_ =	shalt  }
.Lfunc_end0:
.L_simem_size_0:
called_computation.2_lowered:
.L_overlay_start_0:
0x88: {  	s2 =	sld [smem:$0x3FD9]  }
0x89: {  	s3 =	sld [smem:$0x3FFE];
	_ =	sdelay $0x1  }
0x8a: {  	s1 =	srdreg.scid  }
0x8b: {  	s0 =	sand.u32 $0x1, s1  }
0x8c: {  	s17 =	sshll.u32 s0, $0xA;
	s2 =	sadd.s32 s3, s2  }
0x8d: {  	s2 =	sadd.s32 s2, s17  }
0x8e: {  	[smem:$0x3FC6] =	sst s2  }
0x8f: {  	_ = 	snop  }
0x90: {  	s2 =	sld [smem:$0x3FD0];
	(tm) =	ssettm $0x1  }
0x91: {  	s18 =	sld [smem:$0x3FFB];
	_ =	sdelay $0x3  }
0x92: {  	_ =	strace s18  }
0x93: {  	s3 =	sld [smem:$0x3FFC];
	_ =	sdelay $0x3  }
0x94: {  	_ =	strace s3  }
0x95: {  	s3 =	sld [smem:$0x3FFD];
	_ =	sdelay $0x3  }
0x96: {  	_ =	strace s3  }
0x97: {  	_ =	strace $0x8FFFFFFF  }
0x98: {  	s19 =	sld [smem:$0x3FDB];
	_ =	sdelay $0x1  }
0x99: {  	s4 =	simm.s32 $_scs_section_size  }
0x9a: {  	s5 =	simm.s32 $_size__tile_overlayer_lowered;
	s6 =	simm.s32 $_tile_overlayer_lowered  }
0x9b: {  	s22 =	simm.s32 $0x1BFF;
	s21 =	sshll.u32 s6, $0x1;
	s3 =	sadd.s32 s4, s19  }
0x9c: {  	s7 =	simm.s32 $0x0;
	s20 =	sshll.u32 s5, $0x1;
	s5 =	sadd.s32 s21, s3  }
0x9d: {  	[timem:s7], [sflag:s22] =	dma.local [hbm:s5], s20  }
0x9e: {  	_ =	swait.ge [sflag:s22], s20  }
0x9f: {  	s4 =	ssub.s32 $0x0, s20;
	[sflag:s22] =	ssyncset.done $0x0  }
0xa0: {  	[sflag:s22] =	ssyncadd.s32 s4;
	_ =	sdelay $0x1  }
0xa1: {  	s23 =	simm.s32 $0x1B8B  }
0xa2: {  	_ =	swait.ge [sflag:s23], $0x1  }
0xa3: {  	[sflag:s23] =	ssyncset.done $0x0  }
0xa4: {  	s25 =	simm.s32 $0x1B8E;
	s24 =	sld [smem:$0x3FFE];
	[sflag:s23] =	ssyncadd.s32 $0xFFFFFFFF  }
0xa5: {  	s26 =	simm.s32 $execute0_lowered;
	[smem:$0x3FD2] =	sst s25  }
0xa6: {  	s5 =	sshll.u32 s26, $0x1;
	_ =	strace $0x80000049;
	[dreg:$0x1] =	wrdreg $0xFFFFFFFF  }
0xa7: {  	s28 =	simm.s32 $_size_execute0_lowered;
	s3 =	sadd.s32 s3, s5;
	[dreg:$0x0] =	wrdreg $0x0  }
0xa8: {  	s5 =	sshll.u32 s28, $0x1;
	[dreg:$0x2] =	wrdreg s3  }
0xa9: {  	[dreg:$0x3] =	wrdreg s5  }
0xaa: {  	[dreg:$0x4] =	wrdreg $0xC0  }
0xab: {  	_ =	task [dreg:s7], $0x5FFFF  }
0xac: {  	[dreg:$0x1] =	wrdreg $0xFFFFFFFF  }
0xad: {  	[dreg:$0x0] =	wrdreg $0x60  }
0xae: {  	[dreg:$0x2] =	wrdreg s2  }
0xaf: {  	[dreg:$0x3] =	wrdreg s24  }
0xb0: {  	[dreg:$0x4] =	wrdreg $0x9  }
0xb1: {  	_ =	task.clear_ibuf [dreg:s7], $0x5FFFF;
	_ =	strace $0x90000049  }
0xb2: {  	s29 =	simm.s32 $0x9;
	_ =	strace $0x8000004B  }
0xb3: {  	_ =	swait.ge [sflag:s29], $0x1  }
0xb4: {  	[sflag:s29] =	ssyncadd.s32 $0xFFFFFFFF  }
0xb5: {  	_ =	strace $0x9000004B  }
0xb6: {  	_ =	sfence  }
0xb7: {  	s30 =	sld [smem:$0x0];
	_ =	sdelay $0x2  }
0xb8: {  	s31 =	sshll.u32 s1, $0xD;
	s1 =	sshrl.u32 s1, $0x2  }
0xb9: {  	s3 =	sand.u32 $0x4000, s31;
	s1 =	sadd.s32 s1, s30  }
0xba: {  	s0 =	sor.u32 s3, s0;
	s1 =	sshll.u32 s1, $0x11  }
0xbb: {  	s0 =	sor.u32 s1, s0  }
0xbc: {  	s0 =	sadd.s32 $0x8F2B, s0  }
0xbd: {  	[sflag:s0] =	ssyncadd.remote.s32 $0x1  }
0xbe: {  	_ =	sfence.sel $0xFFFF  }
0xbf: {  	[dreg:$0x0] =	wrdreg $0xFFFFFFFF;
	(pc) =	sbr.abs _section_cstart, $3  }
0xc0: {  	[dreg:$0x1] =	wrdreg $0xFFFFFFFF  }
0xc1: {  	_ =	task.clear_ibuf [dreg:s7], $0x2FFFF;
	_ =	strace $0x9FFFFFFF  }
0xc2: {  	(tm) =	ssettm $0x7FFFFFFF  }
0xc3: {  	_ =	shalt  }
tec
execute0_lowered:
.L_overlay_start_1:
0x0: {  	(tag) =	ssettag $0x1  }
0x1: {  	s0 =	srdreg.scid;
	s1 =	rddreg [dreg:$0x0]  }
0x2: {  	s10 =	stileid.u32;
	s4 =	rddreg [dreg:$0x1];
	s3 =	simm.s32 $0x0  }
0x3: {  	s16 =	simm.s32 $0x3;
	s17 =	simm.s32 $0x80;
	s18 =	simm.s32 $0x6400  }
0x4: {  	s19 =	simm.s32 $0x8400;
	s28 =	simm.s32 $0x10400;
	s30 =	simm.s32 $0x12400  }
0x5: {  	s20 =	simm.s32 $0x40;
	s0 =	sand.u32 $0x1, s0;
	s6 =	smul.u32 $0x640000, s10  }
0x6: {  	s2 =	sshll.u32 s10, $0x1;
	[smem:$0x7FF] =	sst s3;
	s10 =	smul.u32 $0xC800, s10  }
0x7: {  	s3 =	sadd.s32 $0xF43200, s4;
	s9 =	sadd.s32 $0xE00, s4;
	s8 =	smul.u32 $0x320000, s0  }
0x8: {  	s2 =	sor.u32 s0, s2;
	s7 =	ssub.s32 $0x2, s0;
	s0 =	smul.u32 $0x6400, s0  }
0x9: {  	_ =	strace $0x8000004A;
	s5 =	smul.u32 $0x6400, s2;
	s21 =	sshrl.u32 s7, $0x1  }
0xa: {  	s2 =	smul.u32 $0x320000, s2;
	s13 =	ssub.s32 s7, s21;
	s23 =	sadd.s32 s8, s6  }
0xb: {  	s0 =	sadd.s32 s0, s10;
	s21 =	simm.s32 $0xA400;
	s5 =	sshrl.u32 s5, $0x3  }
0xc: {  	s2 =	sshrl.u32 s2, $0x3;
	s0 =	sshll.u32 s0, $0x4;
	s13 =	smax.u32 s13, $0x1  }
0xd: {  	s1 =	sadd.s32 s1, s5;
	s22 =	sadd.s32 s9, s2;
	s2 =	sshrl.u32 s23, $0x3  }
0xe: {  	s0 =	sadd.s32 s0, s9;
	s23 =	simm.s32 $0xC400;
	[dreg:$0x9] =	wrdreg s1  }
0xf: {  	s5 =	sadd.s32 $0x60000, s22;
	s6 =	sadd.s32 $0x60800, s22;
	s7 =	sadd.s32 $0x61000, s22  }
0x10: {  	s2 =	sadd.s32 s2, s9;
	s8 =	sadd.s32 $0x61800, s22;
	s24 =	sadd.s32 $0x3800, s0  }
0x11: {  	s9 =	sadd.s32 $0x62000, s22;
	s25 =	sadd.s32 $0x3000, s0;
	s10 =	sadd.s32 $0x62800, s22  }
0x12: {  	s26 =	sadd.s32 $0x2800, s0;
	s11 =	sadd.s32 $0x63000, s22;
	[dreg:$0x3] =	wrdreg s2  }
0x13: {  	s29 =	sadd.s32 $0x2000, s0;
	s12 =	sadd.s32 $0x63800, s22;
	[dreg:$0x4] =	wrdreg s24  }
0x14: {  	s31 =	sadd.s32 $0x1800, s0;
	s14 =	sadd.s32 $0x1000, s0;
	[dreg:$0x5] =	wrdreg s25  }
0x15: {  	s15 =	sadd.s32 $0x800, s0;
	s1 =	simm.s32 $0x14400;
	[dreg:$0x6] =	wrdreg s26  }
0x16: {  	s0 =	simm.s32 $0x1;
	s22 =	simm.s32 $0x2;
	[dreg:$0x7] =	wrdreg s29  }
0x17: {  	[dreg:$0x8] =	wrdreg s31;
	s25 =	simm.s32 $0xE400;
	s24 =	simm.s32 $0x0  }
.LBB2_1:
0x18: {  	s2 =	simm.s32 $0x0;
	s4 =	rddreg [dreg:$0x9]  }
0x19: {  	[tilespmem:s2], [sflag:$0x3] =	stream.linear.gather [hbm4b:s4+s2], $0x6400, $0x38;
	[tilespmem:$0x16400] =	vst v63  }
0x1a: {  	_ =	swait.ge [sflag:s16], $0x6400  }
0x1b: {  	[sflag:s16] =	ssyncset.done $0x0  }
0x1c: {  	[sflag:s16] =	ssyncadd.s32 $0xFFFF9C00  }
0x1d: {  	[tilespmem:s18], [sflag:$0x1] =	stream.indirect.gather [hbm4b:s3+s17], $0x40, s2, s17, $0xb8;
	[tilespmem:$0x16400] =	vst v63  }
0x1e: {  	_ = 	snop  }
0x1f: {  	[tilespmem:s19], [sflag:$0x1] =	stream.indirect.gather [hbm4b:s3+s17], $0x40, s17, s17, $0xb8;
	[tilespmem:$0x16400] =	vst v63  }
0x20: {  	s26 =	simm.s32 $0x100  }
0x21: {  	[tilespmem:s21], [sflag:$0x1] =	stream.indirect.gather [hbm4b:s3+s17], $0x40, s26, s17, $0xb8;
	[tilespmem:$0x16400] =	vst v63  }
0x22: {  	s4 =	simm.s32 $0x180  }
0x23: {  	[tilespmem:s23], [sflag:$0x1] =	stream.indirect.gather [hbm4b:s3+s17], $0x40, s4, s17, $0xb8;
	[tilespmem:$0x16400] =	vst v63  }
0x24: {  	s26 =	simm.s32 $0x200  }
0x25: {  	[tilespmem:s25], [sflag:$0x1] =	stream.indirect.gather [hbm4b:s3+s17], $0x40, s26, s17, $0xb8;
	[tilespmem:$0x16400] =	vst v63  }
0x26: {  	s4 =	simm.s32 $0x280  }
0x27: {  	[tilespmem:s28], [sflag:$0x1] =	stream.indirect.gather [hbm4b:s3+s17], $0x40, s4, s17, $0xb8;
	[tilespmem:$0x16400] =	vst v63  }
0x28: {  	s26 =	simm.s32 $0x300  }
0x29: {  	[tilespmem:s30], [sflag:$0x1] =	stream.indirect.gather [hbm4b:s3+s17], $0x40, s26, s17, $0xb8;
	[tilespmem:$0x16400] =	vst v63  }
0x2a: {  	s4 =	simm.s32 $0x380  }
0x2b: {  	[tilespmem:s1], [sflag:$0x1] =	stream.indirect.gather [hbm4b:s3+s17], $0x40, s4, s17, $0xb8;
	[tilespmem:$0x16400] =	vst v63  }
0x2c: {  	_ =	swait.ge [sflag:s0], $0x2000  }
0x2d: {  	s26 =	rddreg [dreg:$0x3];
	[sflag:s0] =	ssyncset.done $0x0  }
0x2e: {  	[sflag:s0] =	ssyncadd.s32 $0xFFFFE000;
	s2 =	sadd.s32 $0x0, s26  }
0x2f: {  	[hbm4b:s2+s20] =	stream.strided.scatter [tilespmem:s18], [sflag:$0x2], $0x2000, s17, s20, $0x38;
	[tilespmem:$0x16400] =	vst v63  }
0x30: {  	_ =	swait.ge [sflag:s22], $0x2000  }
0x31: {  	[sflag:s22] =	ssyncset.done $0x0  }
0x32: {  	s4 =	simm.s32 $0x400;
	[sflag:s22] =	ssyncadd.s32 $0xFFFFE000  }
0x33: {  	[tilespmem:s18], [sflag:$0x1] =	stream.indirect.gather [hbm4b:s3+s17], $0x40, s4, s17, $0xb8;
	[tilespmem:$0x16400] =	vst v63  }
0x34: {  	_ =	swait.ge [sflag:s0], $0x2000  }
0x35: {  	[sflag:s0] =	ssyncset.done $0x0  }
0x36: {  	s26 =	sadd.s32 $0x0, s15;
	[sflag:s0] =	ssyncadd.s32 $0xFFFFE000  }
0x37: {  	[hbm4b:s26+s20] =	stream.strided.scatter [tilespmem:s19], [sflag:$0x2], $0x2000, s17, s20, $0x38;
	[tilespmem:$0x16400] =	vst v63  }
0x38: {  	_ =	swait.ge [sflag:s22], $0x2000  }
0x39: {  	[sflag:s22] =	ssyncset.done $0x0  }
0x3a: {  	s4 =	simm.s32 $0x480;
	[sflag:s22] =	ssyncadd.s32 $0xFFFFE000  }
0x3b: {  	[tilespmem:s19], [sflag:$0x1] =	stream.indirect.gather [hbm4b:s3+s17], $0x40, s4, s17, $0xb8;
	[tilespmem:$0x16400] =	vst v63  }
0x3c: {  	_ =	swait.ge [sflag:s0], $0x2000  }
0x3d: {  	[sflag:s0] =	ssyncset.done $0x0  }
0x3e: {  	s26 =	sadd.s32 $0x0, s14;
	[sflag:s0] =	ssyncadd.s32 $0xFFFFE000  }
0x3f: {  	[hbm4b:s26+s20] =	stream.strided.scatter [tilespmem:s21], [sflag:$0x2], $0x2000, s17, s20, $0x38;
	[tilespmem:$0x16400] =	vst v63  }
0x40: {  	_ =	swait.ge [sflag:s22], $0x2000  }
0x41: {  	[sflag:s22] =	ssyncset.done $0x0  }
0x42: {  	s4 =	simm.s32 $0x500;
	[sflag:s22] =	ssyncadd.s32 $0xFFFFE000  }
0x43: {  	[tilespmem:s21], [sflag:$0x1] =	stream.indirect.gather [hbm4b:s3+s17], $0x40, s4, s17, $0xb8;
	[tilespmem:$0x16400] =	vst v63  }
0x44: {  	_ =	swait.ge [sflag:s0], $0x2000  }
0x45: {  	s26 =	rddreg [dreg:$0x8];
	[sflag:s0] =	ssyncset.done $0x0  }
0x46: {  	[sflag:s0] =	ssyncadd.s32 $0xFFFFE000;
	s2 =	sadd.s32 $0x0, s26  }
0x47: {  	[hbm4b:s2+s20] =	stream.strided.scatter [tilespmem:s23], [sflag:$0x2], $0x2000, s17, s20, $0x38;
	[tilespmem:$0x16400] =	vst v63  }
0x48: {  	_ =	swait.ge [sflag:s22], $0x2000  }
0x49: {  	[sflag:s22] =	ssyncset.done $0x0  }
0x4a: {  	s4 =	simm.s32 $0x580;
	[sflag:s22] =	ssyncadd.s32 $0xFFFFE000  }
0x4b: {  	[tilespmem:s23], [sflag:$0x1] =	stream.indirect.gather [hbm4b:s3+s17], $0x40, s4, s17, $0xb8;
	[tilespmem:$0x16400] =	vst v63  }
0x4c: {  	_ =	swait.ge [sflag:s0], $0x2000  }
0x4d: {  	s26 =	rddreg [dreg:$0x7];
	[sflag:s0] =	ssyncset.done $0x0  }
0x4e: {  	[sflag:s0] =	ssyncadd.s32 $0xFFFFE000;
	s2 =	sadd.s32 $0x0, s26  }
0x4f: {  	[hbm4b:s2+s20] =	stream.strided.scatter [tilespmem:s25], [sflag:$0x2], $0x2000, s17, s20, $0x38;
	[tilespmem:$0x16400] =	vst v63  }
0x50: {  	_ =	swait.ge [sflag:s22], $0x2000  }
0x51: {  	[sflag:s22] =	ssyncset.done $0x0  }
0x52: {  	s4 =	simm.s32 $0x600;
	[sflag:s22] =	ssyncadd.s32 $0xFFFFE000  }
0x53: {  	[tilespmem:s25], [sflag:$0x1] =	stream.indirect.gather [hbm4b:s3+s17], $0x40, s4, s17, $0xb8;
	[tilespmem:$0x16400] =	vst v63  }
0x54: {  	_ =	swait.ge [sflag:s0], $0x2000  }
0x55: {  	s26 =	rddreg [dreg:$0x6];
	[sflag:s0] =	ssyncset.done $0x0  }
0x56: {  	[sflag:s0] =	ssyncadd.s32 $0xFFFFE000;
	s2 =	sadd.s32 $0x0, s26  }
0x57: {  	[hbm4b:s2+s20] =	stream.strided.scatter [tilespmem:s28], [sflag:$0x2], $0x2000, s17, s20, $0x38;
	[tilespmem:$0x16400] =	vst v63  }
0x58: {  	_ =	swait.ge [sflag:s22], $0x2000  }
0x59: {  	[sflag:s22] =	ssyncset.done $0x0  }
0x5a: {  	s4 =	simm.s32 $0x680;
	[sflag:s22] =	ssyncadd.s32 $0xFFFFE000  }
0x5b: {  	[tilespmem:s28], [sflag:$0x1] =	stream.indirect.gather [hbm4b:s3+s17], $0x40, s4, s17, $0xb8;
	[tilespmem:$0x16400] =	vst v63  }
0x5c: {  	_ =	swait.ge [sflag:s0], $0x2000  }
0x5d: {  	s26 =	rddreg [dreg:$0x5];
	[sflag:s0] =	ssyncset.done $0x0  }
0x5e: {  	[sflag:s0] =	ssyncadd.s32 $0xFFFFE000;
	s2 =	sadd.s32 $0x0, s26  }
0x5f: {  	[hbm4b:s2+s20] =	stream.strided.scatter [tilespmem:s30], [sflag:$0x2], $0x2000, s17, s20, $0x38;
	[tilespmem:$0x16400] =	vst v63  }
0x60: {  	_ =	swait.ge [sflag:s22], $0x2000  }
0x61: {  	[sflag:s22] =	ssyncset.done $0x0  }
0x62: {  	s4 =	simm.s32 $0x700;
	[sflag:s22] =	ssyncadd.s32 $0xFFFFE000  }
0x63: {  	[tilespmem:s30], [sflag:$0x1] =	stream.indirect.gather [hbm4b:s3+s17], $0x40, s4, s17, $0xb8;
	[tilespmem:$0x16400] =	vst v63  }
0x64: {  	_ =	swait.ge [sflag:s0], $0x2000  }
0x65: {  	s26 =	rddreg [dreg:$0x4];
	[sflag:s0] =	ssyncset.done $0x0  }
0x66: {  	[sflag:s0] =	ssyncadd.s32 $0xFFFFE000;
	s2 =	sadd.s32 $0x0, s26  }
0x67: {  	[hbm4b:s2+s20] =	stream.strided.scatter [tilespmem:s1], [sflag:$0x2], $0x2000, s17, s20, $0x38;
	[tilespmem:$0x16400] =	vst v63  }
0x68: {  	_ =	swait.ge [sflag:s22], $0x2000  }
0x69: {  	s29 =	simm.s32 $0x4000;
	[sflag:s22] =	ssyncset.done $0x0  }
0x6a: {  	s31 =	simm.s32 $0xB80;
	s26 =	simm.s32 $0x780;
	[sflag:s22] =	ssyncadd.s32 $0xFFFFE000  }
.LBB2_2:
0x6b: {  	[tilespmem:s1], [sflag:$0x1] =	stream.indirect.gather [hbm4b:s3+s17], $0x40, s26, s17, $0xb8;
	[tilespmem:$0x16400] =	vst v63  }
0x6c: {  	_ =	swait.ge [sflag:s0], $0x2000  }
0x6d: {  	s2 =	smov.u32 s29;
	s4 =	rddreg [dreg:$0x3];
	[sflag:s0] =	ssyncset.done $0x0  }
0x6e: {  	[sflag:s0] =	ssyncadd.s32 $0xFFFFE000;
	s4 =	sadd.s32 s2, s4  }
0x6f: {  	[hbm4b:s4+s20] =	stream.strided.scatter [tilespmem:s18], [sflag:$0x2], $0x2000, s17, s20, $0x38;
	[tilespmem:$0x16400] =	vst v63  }
0x70: {  	_ =	swait.ge [sflag:s22], $0x2000  }
0x71: {  	[sflag:s22] =	ssyncset.done $0x0  }
0x72: {  	s4 =	sadd.s32 $0xFFFFFC80, s31;
	[sflag:s22] =	ssyncadd.s32 $0xFFFFE000  }
0x73: {  	[tilespmem:s18], [sflag:$0x1] =	stream.indirect.gather [hbm4b:s3+s17], $0x40, s4, s17, $0xb8;
	[tilespmem:$0x16400] =	vst v63  }
0x74: {  	_ =	swait.ge [sflag:s0], $0x2000  }
0x75: {  	[sflag:s0] =	ssyncset.done $0x0  }
0x76: {  	s4 =	sadd.s32 s2, s15;
	[sflag:s0] =	ssyncadd.s32 $0xFFFFE000  }
0x77: {  	[hbm4b:s4+s20] =	stream.strided.scatter [tilespmem:s19], [sflag:$0x2], $0x2000, s17, s20, $0x38;
	[tilespmem:$0x16400] =	vst v63  }
0x78: {  	_ =	swait.ge [sflag:s22], $0x2000  }
0x79: {  	[sflag:s22] =	ssyncset.done $0x0  }
0x7a: {  	s4 =	sadd.s32 $0xFFFFFD00, s31;
	[sflag:s22] =	ssyncadd.s32 $0xFFFFE000  }
0x7b: {  	[tilespmem:s19], [sflag:$0x1] =	stream.indirect.gather [hbm4b:s3+s17], $0x40, s4, s17, $0xb8;
	[tilespmem:$0x16400] =	vst v63  }
0x7c: {  	_ =	swait.ge [sflag:s0], $0x2000  }
0x7d: {  	[sflag:s0] =	ssyncset.done $0x0  }
0x7e: {  	s4 =	sadd.s32 s2, s14;
	[sflag:s0] =	ssyncadd.s32 $0xFFFFE000  }
0x7f: {  	[hbm4b:s4+s20] =	stream.strided.scatter [tilespmem:s21], [sflag:$0x2], $0x2000, s17, s20, $0x38;
	[tilespmem:$0x16400] =	vst v63  }
0x80: {  	_ =	swait.ge [sflag:s22], $0x2000  }
0x81: {  	[sflag:s22] =	ssyncset.done $0x0  }
0x82: {  	s4 =	sadd.s32 $0xFFFFFD80, s31;
	[sflag:s22] =	ssyncadd.s32 $0xFFFFE000  }
0x83: {  	[tilespmem:s21], [sflag:$0x1] =	stream.indirect.gather [hbm4b:s3+s17], $0x40, s4, s17, $0xb8;
	[tilespmem:$0x16400] =	vst v63  }
0x84: {  	_ =	swait.ge [sflag:s0], $0x2000  }
0x85: {  	s4 =	rddreg [dreg:$0x8];
	[sflag:s0] =	ssyncset.done $0x0  }
0x86: {  	[sflag:s0] =	ssyncadd.s32 $0xFFFFE000;
	s4 =	sadd.s32 s2, s4  }
0x87: {  	[hbm4b:s4+s20] =	stream.strided.scatter [tilespmem:s23], [sflag:$0x2], $0x2000, s17, s20, $0x38;
	[tilespmem:$0x16400] =	vst v63  }
0x88: {  	_ =	swait.ge [sflag:s22], $0x2000  }
0x89: {  	[sflag:s22] =	ssyncset.done $0x0  }
0x8a: {  	s4 =	sadd.s32 $0xFFFFFE00, s31;
	[sflag:s22] =	ssyncadd.s32 $0xFFFFE000  }
0x8b: {  	[tilespmem:s23], [sflag:$0x1] =	stream.indirect.gather [hbm4b:s3+s17], $0x40, s4, s17, $0xb8;
	[tilespmem:$0x16400] =	vst v63  }
0x8c: {  	_ =	swait.ge [sflag:s0], $0x2000  }
0x8d: {  	s4 =	rddreg [dreg:$0x7];
	[sflag:s0] =	ssyncset.done $0x0  }
0x8e: {  	[sflag:s0] =	ssyncadd.s32 $0xFFFFE000;
	s4 =	sadd.s32 s2, s4  }
0x8f: {  	[hbm4b:s4+s20] =	stream.strided.scatter [tilespmem:s25], [sflag:$0x2], $0x2000, s17, s20, $0x38;
	[tilespmem:$0x16400] =	vst v63  }
0x90: {  	_ =	swait.ge [sflag:s22], $0x2000  }
0x91: {  	[sflag:s22] =	ssyncset.done $0x0  }
0x92: {  	s4 =	sadd.s32 $0xFFFFFE80, s31;
	[sflag:s22] =	ssyncadd.s32 $0xFFFFE000  }
0x93: {  	[tilespmem:s25], [sflag:$0x1] =	stream.indirect.gather [hbm4b:s3+s17], $0x40, s4, s17, $0xb8;
	[tilespmem:$0x16400] =	vst v63  }
0x94: {  	_ =	swait.ge [sflag:s0], $0x2000  }
0x95: {  	s4 =	rddreg [dreg:$0x6];
	[sflag:s0] =	ssyncset.done $0x0  }
0x96: {  	[sflag:s0] =	ssyncadd.s32 $0xFFFFE000;
	s4 =	sadd.s32 s2, s4  }
0x97: {  	[hbm4b:s4+s20] =	stream.strided.scatter [tilespmem:s28], [sflag:$0x2], $0x2000, s17, s20, $0x38;
	[tilespmem:$0x16400] =	vst v63  }
0x98: {  	_ =	swait.ge [sflag:s22], $0x2000  }
0x99: {  	[sflag:s22] =	ssyncset.done $0x0  }
0x9a: {  	s4 =	sadd.s32 $0xFFFFFF00, s31;
	[sflag:s22] =	ssyncadd.s32 $0xFFFFE000  }
0x9b: {  	[tilespmem:s28], [sflag:$0x1] =	stream.indirect.gather [hbm4b:s3+s17], $0x40, s4, s17, $0xb8;
	[tilespmem:$0x16400] =	vst v63  }
0x9c: {  	_ =	swait.ge [sflag:s0], $0x2000  }
0x9d: {  	s4 =	rddreg [dreg:$0x5];
	[sflag:s0] =	ssyncset.done $0x0  }
0x9e: {  	[sflag:s0] =	ssyncadd.s32 $0xFFFFE000;
	s4 =	sadd.s32 s2, s4  }
0x9f: {  	[hbm4b:s4+s20] =	stream.strided.scatter [tilespmem:s30], [sflag:$0x2], $0x2000, s17, s20, $0x38;
	[tilespmem:$0x16400] =	vst v63  }
0xa0: {  	_ =	swait.ge [sflag:s22], $0x2000  }
0xa1: {  	[sflag:s22] =	ssyncset.done $0x0  }
0xa2: {  	s4 =	sadd.s32 $0xFFFFFF80, s31;
	[sflag:s22] =	ssyncadd.s32 $0xFFFFE000  }
0xa3: {  	[tilespmem:s30], [sflag:$0x1] =	stream.indirect.gather [hbm4b:s3+s17], $0x40, s4, s17, $0xb8;
	[tilespmem:$0x16400] =	vst v63  }
0xa4: {  	_ =	swait.ge [sflag:s0], $0x2000  }
0xa5: {  	p0 =	sne.s32 s29, $0x5C000;
	s4 =	rddreg [dreg:$0x4];
	[sflag:s0] =	ssyncset.done $0x0  }
.Ltmp0:
0xa6: {  	[sflag:s0] =	ssyncadd.s32 $0xFFFFE000;
	s2 =	sadd.s32 s2, s4;
	(pc) =	sbr.rel @p0 .LBB2_2-.Ltmp0, $4  }
0xa7: {  	[hbm4b:s2+s20] =	stream.strided.scatter [tilespmem:s1], [sflag:$0x2], $0x2000, s17, s20, $0x38;
	[tilespmem:$0x16400] =	vst v63  }
0xa8: {  	_ =	swait.ge [sflag:s22], $0x2000  }
0xa9: {  	s26 =	smov.u32 s31;
	[sflag:s22] =	ssyncset.done $0x0  }
0xaa: {  	s29 =	sadd.s32 $0x4000, s29;
	s31 =	sadd.s32 $0x400, s31;
	[sflag:s22] =	ssyncadd.s32 $0xFFFFE000  }
0xab: {  	[tilespmem:s1], [sflag:$0x1] =	stream.indirect.gather [hbm4b:s3+s17], $0x40, s26, s17, $0xb8;
	[tilespmem:$0x16400] =	vst v63  }
0xac: {  	_ =	swait.ge [sflag:s0], $0x2000  }
0xad: {  	[sflag:s0] =	ssyncset.done $0x0  }
0xae: {  	[sflag:s0] =	ssyncadd.s32 $0xFFFFE000  }
0xaf: {  	[hbm4b:s5+s20] =	stream.strided.scatter [tilespmem:s18], [sflag:$0x2], $0x2000, s17, s20, $0x38;
	[tilespmem:$0x16400] =	vst v63  }
0xb0: {  	_ =	swait.ge [sflag:s22], $0x2000  }
0xb1: {  	[sflag:s22] =	ssyncset.done $0x0  }
0xb2: {  	[sflag:s22] =	ssyncadd.s32 $0xFFFFE000  }
0xb3: {  	_ =	swait.ge [sflag:s0], $0x2000  }
0xb4: {  	[sflag:s0] =	ssyncset.done $0x0  }
0xb5: {  	[sflag:s0] =	ssyncadd.s32 $0xFFFFE000  }
0xb6: {  	[hbm4b:s6+s20] =	stream.strided.scatter [tilespmem:s19], [sflag:$0x2], $0x2000, s17, s20, $0x38;
	[tilespmem:$0x16400] =	vst v63  }
0xb7: {  	_ =	swait.ge [sflag:s22], $0x2000  }
0xb8: {  	[sflag:s22] =	ssyncset.done $0x0  }
0xb9: {  	[sflag:s22] =	ssyncadd.s32 $0xFFFFE000  }
0xba: {  	_ =	swait.ge [sflag:s0], $0x2000  }
0xbb: {  	[sflag:s0] =	ssyncset.done $0x0  }
0xbc: {  	[sflag:s0] =	ssyncadd.s32 $0xFFFFE000  }
0xbd: {  	[hbm4b:s7+s20] =	stream.strided.scatter [tilespmem:s21], [sflag:$0x2], $0x2000, s17, s20, $0x38;
	[tilespmem:$0x16400] =	vst v63  }
0xbe: {  	_ =	swait.ge [sflag:s22], $0x2000  }
0xbf: {  	[sflag:s22] =	ssyncset.done $0x0  }
0xc0: {  	[sflag:s22] =	ssyncadd.s32 $0xFFFFE000  }
0xc1: {  	_ =	swait.ge [sflag:s0], $0x2000  }
0xc2: {  	[sflag:s0] =	ssyncset.done $0x0  }
0xc3: {  	[sflag:s0] =	ssyncadd.s32 $0xFFFFE000  }
0xc4: {  	[hbm4b:s8+s20] =	stream.strided.scatter [tilespmem:s23], [sflag:$0x2], $0x2000, s17, s20, $0x38;
	[tilespmem:$0x16400] =	vst v63  }
0xc5: {  	_ =	swait.ge [sflag:s22], $0x2000  }
0xc6: {  	[sflag:s22] =	ssyncset.done $0x0  }
0xc7: {  	[sflag:s22] =	ssyncadd.s32 $0xFFFFE000  }
0xc8: {  	_ =	swait.ge [sflag:s0], $0x2000  }
0xc9: {  	[sflag:s0] =	ssyncset.done $0x0  }
0xca: {  	[sflag:s0] =	ssyncadd.s32 $0xFFFFE000  }
0xcb: {  	[hbm4b:s9+s20] =	stream.strided.scatter [tilespmem:s25], [sflag:$0x2], $0x2000, s17, s20, $0x38;
	[tilespmem:$0x16400] =	vst v63  }
0xcc: {  	_ =	swait.ge [sflag:s22], $0x2000  }
0xcd: {  	[sflag:s22] =	ssyncset.done $0x0  }
0xce: {  	[sflag:s22] =	ssyncadd.s32 $0xFFFFE000  }
0xcf: {  	_ =	swait.ge [sflag:s0], $0x2000  }
0xd0: {  	[sflag:s0] =	ssyncset.done $0x0  }
0xd1: {  	[sflag:s0] =	ssyncadd.s32 $0xFFFFE000  }
0xd2: {  	[hbm4b:s10+s20] =	stream.strided.scatter [tilespmem:s28], [sflag:$0x2], $0x2000, s17, s20, $0x38;
	[tilespmem:$0x16400] =	vst v63  }
0xd3: {  	_ =	swait.ge [sflag:s22], $0x2000  }
0xd4: {  	[sflag:s22] =	ssyncset.done $0x0  }
0xd5: {  	[sflag:s22] =	ssyncadd.s32 $0xFFFFE000  }
0xd6: {  	_ =	swait.ge [sflag:s0], $0x2000  }
0xd7: {  	[sflag:s0] =	ssyncset.done $0x0  }
0xd8: {  	[sflag:s0] =	ssyncadd.s32 $0xFFFFE000  }
0xd9: {  	[hbm4b:s11+s20] =	stream.strided.scatter [tilespmem:s30], [sflag:$0x2], $0x2000, s17, s20, $0x38;
	[tilespmem:$0x16400] =	vst v63  }
0xda: {  	_ =	swait.ge [sflag:s22], $0x2000  }
0xdb: {  	[sflag:s22] =	ssyncset.done $0x0  }
0xdc: {  	[sflag:s22] =	ssyncadd.s32 $0xFFFFE000  }
0xdd: {  	s24 =	sadd.s32 $0x1, s24;
	_ =	swait.ge [sflag:s0], $0x2000  }
0xde: {  	p0 =	sne.s32 s24, s13;
	[sflag:s0] =	ssyncset.done $0x0  }
.Ltmp1:
0xdf: {  	[sflag:s0] =	ssyncadd.s32 $0xFFFFE000;
	(pc) =	sbr.rel @p0 .LBB2_1-.Ltmp1, $4  }
0xe0: {  	[hbm4b:s12+s20] =	stream.strided.scatter [tilespmem:s1], [sflag:$0x2], $0x2000, s17, s20, $0x38;
	[tilespmem:$0x16400] =	vst v63  }
0xe1: {  	_ =	swait.ge [sflag:s22], $0x2000  }
0xe2: {  	[sflag:s22] =	ssyncset.done $0x0  }
0xe3: {  	[sflag:s22] =	ssyncadd.s32 $0xFFFFE000  }
0xe4: {  	_ =	sfence.sel $0x180000  }
0xe5: {  	[bflag:$0x0] =	sbarrier.arrive $0xFFFF  }
0xe6: {  	_ =	strace $0x9000004A  }
0xe7: {  	s0 =	stileid.u32;
	[bflag:$0x2] =	sbarrier.arrive $0xFFFF  }
0xe8: {  	p0 =	sne.s32 s0, $0x0;
	s0 =	rddreg [dreg:$0x2]  }
0xe9: {  	s0 =	sadd.s32 @!p0 $0x100000, s0  }
0xea: {  	[sflag:s0] =	ssyncadd.tile.s32 @!p0 $0x1;
	_ =	shalt  }
.Lfunc_end2:
_tile_overlayer_lowered:
.L_overlay_start_2:
0xeb: {  	(tag) =	ssettag $0x2  }
0xec: {  	s0 =	rddreg [dreg:$0x0];
	s2 =	stileid.u32  }
0xed: {  	s1 =	rddreg [dreg:$0x1];
	p0 =	sne.s32 s2, $0x0  }
0xee: {  	s3 =	rddreg [dreg:$0x2];
	[bflag:$0x3] =	sbarrier.arrive $0xFFFF;
	s2 =	simm.s32 @!p0 $0x1C03  }
0xef: {  	[timem:s3], [sflag:s2] =	dma.local @!p0 [hbm:s0], s1  }
0xf0: {  	s0 =	simm.s32 @!p0 $0x3  }
0xf1: {  	_ =	swait.ge @!p0 [sflag:s0], s1  }
0xf2: {  	s1 =	ssub.s32 @!p0 $0x0, s1;
	[sflag:s0] =	ssyncset.done @!p0 $0x0  }
0xf3: {  	[sflag:s0] =	ssyncadd.s32 @!p0 s1  }
0xf4: {  	[bflag:$0x3] =	sbarrier.arrive $0xFFFF  }
0xf5: {  	_ =	shalt  }

// kernel: sparse-core-data-format-call.1.cloned.1.call-start
scs
called_computation.1_lowered:
.L_overlay_start_0:
0x0: {  	s2 =	sld [smem:$0x3FD9]  }
0x1: {  	s3 =	sld [smem:$0x3FFE];
	_ =	sdelay $0x1  }
0x2: {  	s1 =	srdreg.scid  }
0x3: {  	s0 =	sand.u32 $0x1, s1  }
0x4: {  	s18 =	sshll.u32 s0, $0xA;
	s2 =	sadd.s32 s3, s2  }
0x5: {  	s2 =	sadd.s32 s2, s18  }
0x6: {  	[smem:$0x3FC6] =	sst s2  }
0x7: {  	_ = 	snop  }
0x8: {  	s2 =	sld [smem:$0x3FC8];
	(tm) =	ssettm $0x1  }
0x9: {  	s19 =	sld [smem:$0x3FFB];
	_ =	sdelay $0x3  }
0xa: {  	_ =	strace s19  }
0xb: {  	s3 =	sld [smem:$0x3FFC];
	_ =	sdelay $0x3  }
0xc: {  	_ =	strace s3  }
0xd: {  	s3 =	sld [smem:$0x3FFD];
	_ =	sdelay $0x3  }
0xe: {  	_ =	strace s3  }
0xf: {  	_ =	strace $0x8FFFFFFF  }
0x10: {  	s20 =	sld [smem:$0x3FDB];
	_ =	sdelay $0x1  }
0x11: {  	s4 =	simm.s32 $_scs_section_size  }
0x12: {  	s5 =	simm.s32 $_size__tile_overlayer_lowered;
	s6 =	simm.s32 $_tile_overlayer_lowered  }
0x13: {  	s23 =	simm.s32 $0x1BFF;
	s22 =	sshll.u32 s6, $0x1;
	s3 =	sadd.s32 s4, s20  }
0x14: {  	s7 =	simm.s32 $0x0;
	s21 =	sshll.u32 s5, $0x1;
	s5 =	sadd.s32 s22, s3  }
0x15: {  	[timem:s7], [sflag:s23] =	dma.local [hbm:s5], s21  }
0x16: {  	_ =	swait.ge [sflag:s23], s21  }
0x17: {  	s4 =	ssub.s32 $0x0, s21;
	[sflag:s23] =	ssyncset.done $0x0  }
0x18: {  	[sflag:s23] =	ssyncadd.s32 s4;
	_ =	sdelay $0x1  }
0x19: {  	s24 =	simm.s32 $0x1B8B  }
0x1a: {  	_ =	swait.ge [sflag:s24], $0x1  }
0x1b: {  	[sflag:s24] =	ssyncset.done $0x0  }
0x1c: {  	s26 =	simm.s32 $0x1B8E;
	s25 =	sld [smem:$0x3FFE];
	[sflag:s24] =	ssyncadd.s32 $0xFFFFFFFF  }
0x1d: {  	s27 =	simm.s32 $execute0_lowered;
	[smem:$0x3FD2] =	sst s26  }
0x1e: {  	s5 =	sshll.u32 s27, $0x1;
	_ =	strace $0x80000046;
	[dreg:$0x1] =	wrdreg $0xFFFFFFFF  }
0x1f: {  	s28 =	simm.s32 $_size_execute0_lowered;
	s3 =	sadd.s32 s3, s5;
	[dreg:$0x0] =	wrdreg $0x0  }
0x20: {  	s5 =	sshll.u32 s28, $0x1;
	[dreg:$0x2] =	wrdreg s3  }
0x21: {  	[dreg:$0x3] =	wrdreg s5  }
0x22: {  	[dreg:$0x4] =	wrdreg $0xC0  }
0x23: {  	_ =	task [dreg:s7], $0x5FFFF  }
0x24: {  	[dreg:$0x1] =	wrdreg $0xFFFFFFFF  }
0x25: {  	[dreg:$0x0] =	wrdreg $0x60  }
0x26: {  	[dreg:$0x2] =	wrdreg s2  }
0x27: {  	[dreg:$0x3] =	wrdreg s25  }
0x28: {  	[dreg:$0x4] =	wrdreg $0x9  }
0x29: {  	_ =	task.clear_ibuf [dreg:s7], $0x5FFFF;
	_ =	strace $0x90000046  }
0x2a: {  	s29 =	simm.s32 $0x9;
	_ =	strace $0x80000048  }
0x2b: {  	_ =	swait.ge [sflag:s29], $0x1  }
0x2c: {  	[sflag:s29] =	ssyncadd.s32 $0xFFFFFFFF  }
0x2d: {  	_ =	strace $0x90000048  }
0x2e: {  	_ =	sfence  }
0x2f: {  	s30 =	sld [smem:$0x0];
	_ =	sdelay $0x2  }
0x30: {  	s31 =	sshll.u32 s1, $0xD;
	s1 =	sshrl.u32 s1, $0x2  }
0x31: {  	s3 =	sand.u32 $0x4000, s31;
	s1 =	sadd.s32 s1, s30  }
0x32: {  	s0 =	sor.u32 s3, s0;
	s1 =	sshll.u32 s1, $0x11  }
0x33: {  	s0 =	sor.u32 s1, s0  }
0x34: {  	s0 =	sadd.s32 $0x8F2B, s0  }
0x35: {  	[sflag:s0] =	ssyncadd.remote.s32 $0x1  }
0x36: {  	_ =	sfence.sel $0xFFFF  }
0x37: {  	[dreg:$0x0] =	wrdreg $0xFFFFFFFF;
	(pc) =	sbr.abs _section_cstart, $3  }
0x38: {  	[dreg:$0x1] =	wrdreg $0xFFFFFFFF  }
0x39: {  	_ =	task.clear_ibuf [dreg:s7], $0x2FFFF;
	_ =	strace $0x9FFFFFFF  }
0x3a: {  	(tm) =	ssettm $0x7FFFFFFF  }
0x3b: {  	_ =	shalt  }
tec
execute0_lowered:
.L_overlay_start_1:
0x0: {  	(tag) =	ssettag $0x1  }
0x1: {  	s0 =	srdreg.scid;
	s2 =	rddreg [dreg:$0x0]  }
0x2: {  	s5 =	rddreg [dreg:$0x1];
	s1 =	stileid.u32  }
0x3: {  	s4 =	simm.s32 $0x1;
	s6 =	simm.s32 $0x2;
	s15 =	simm.s32 $0x0  }
0x4: {  	p0 =	por $0x0, $0x0;
	s8 =	simm.s32 $0x80;
	s0 =	sshll.u32 s0, $0x4  }
0x5: {  	s14 =	simm.s32 $0x0;
	s9 =	simm.s32 $0x0;
	s3 =	sand.u32 $0x10, s0  }
.Ltmp0:
0x6: {  	s10 =	simm.s32 $0x0;
	s3 =	sor.u32 s1, s3;
	(pc) =	sbr.rel .LBB1_1-.Ltmp0, $4  }
0x7: {  	s0 =	rddreg [dreg:$0x2];
	_ =	strace $0x80000047;
	s3 =	sshll.u32 s3, $0x7  }
0x8: {  	s12 =	simm.s32 $0x0;
	[sflag:s4] =	ssyncpa.u1 $0x0;
	s7 =	ssub.s32 $0xF4200, s3  }
0x9: {  	s13 =	simm.s32 $0x0;
	[sflag:s6] =	ssyncpa.u1 $0x0;
	s6 =	sshrl.u32 s7, $0xC  }
0xa: {  	s5 =	sadd.s32 $0xE00, s5;
	s11 =	smov.u32 s3;
	s7 =	sadd.s32 $0x2, s6  }
.LBB1_5:
0xb: {  	p1 =	slt.u32 s13, $0x2  }
0xc: {  	s17 =	smov.u32 s15;
	p2 =	sgt.s32 @!p1 s15, $0xF41C0;
	s16 =	sshra.s32 @!p1 s15, $0x1F  }
0xd: {  	p3 =	sgt.s32 @!p1 s14, $0x40;
	s18 =	sshra.s32 @!p1 s14, $0x1F;
	p2 =	por !p2, p1  }
0xe: {  	s15 =	sand.u32 @!p1 s16, s15;
	p3 =	por !p3, p1;
	s16 =	smov.u32 s14  }
0xf: {  	s14 =	sand.u32 @!p1 s18, s14;
	s17 =	simm.s32 @p2 $0xF41C0;
	s16 =	simm.s32 @p3 $0x40  }
0x10: {  	s15 =	ssub.s32 @!p1 s17, s15;
	s14 =	ssub.s32 @!p1 s16, s14  }
0x11: {  	s18 =	smov.u32 s12;
	s16 =	sadd.s32 @!p1 $0xFFF0BE40, s15;
	s17 =	sadd.s32 @!p1 $0xFFFFFFC0, s14  }
0x12: {  	s15 =	ssub.s32 @!p1 $0xF4240, s15;
	p2 =	sgt.s32 @!p1 s16, $0x7F;
	p3 =	sgt.s32 @!p1 s17, $0x3F  }
0x13: {  	s14 =	ssub.s32 @!p1 $0x80, s14;
	p2 =	por !p2, p1;
	p3 =	por !p3, p1  }
0x14: {  	s16 =	sadd.s32 $0x1000, s11;
	s15 =	simm.s32 @!p2 $0x0;
	s14 =	simm.s32 @!p3 $0x0  }
0x15: {  	p2 =	sgt.s32 s16, $0xF423F;
	s14 =	smul.u32 @!p1 s14, s15;
	s15 =	sadd.s32 $0x40, s12  }
0x16: {  	s18 =	smov.u32 @p2 s15  }
0x17: {  	s16 =	smov.u32 @p2 s3;
	p2 =	sgt.s32 s18, $0x3F  }
0x18: {  	s18 =	simm.s32 @p2 $0x0;
	p2 =	sne.s32 s13, s7  }
.Ltmp1:
0x19: {  	p0 =	por !p0, !p0;
	s17 =	simm.s32 @!p1 $0x2;
	(pc) =	sbr.rel @!p2 .LBB1_6-.Ltmp1, $4  }
0x1a: {  	s15 =	smov.u32 s9;
	s9 =	smov.u32 s11;
	s14 =	sand.u32 @!p1 $0x3FFFFFFF, s14  }
0x1b: {  	s11 =	smov.u32 s16;
	_ =	swait.ge @!p1 [sflag:s17], s14;
	s19 =	ssub.s32 @!p1 $0x0, s14  }
0x1c: {  	s14 =	smov.u32 s10;
	s13 =	sadd.s32 $0x1, s13;
	[sflag:s17] =	ssyncset.done @!p1 $0x0  }
0x1d: {  	s10 =	smov.u32 s12;
	s12 =	smov.u32 s18;
	[sflag:s17] =	ssyncadd.s32 @!p1 s19  }
.LBB1_1:
0x1e: {  	p1 =	sgt.u32 s13, s6  }
0x1f: {  	s16 =	sshrl.u32 @!p1 s12, $0x3  }
0x20: {  	s17 =	sshll.u32 @!p1 s11, $0x3;
	s16 =	smul.u32 @!p1 $0x7A1400, s16  }
0x21: {  	s18 =	sshll.u32 @!p1 s12, $0x7;
	s17 =	sand.u32 @!p1 $0xFFFFFC00, s17  }
0x22: {  	s16 =	sadd.s32 @!p1 s16, s17;
	s17 =	sand.u32 @!p1 $0x380, s18  }
0x23: {  	s18 =	sand.u32 @!p1 $0x7F, s11;
	s16 =	sor.u32 @!p1 s17, s16  }
0x24: {  	s17 =	sor.u32 @!p1 s18, s16  }
0x25: {  	s18 =	smulhi.u32 @!p1 $0x218D6287, s17;
	_ =	sdelay $0x1  }
0x26: {  	s16 =	smulhi.u32 @!p1 $0x218D6287, s16;
	s18 =	sshrl.u32 @!p1 s18, $0x11  }
0x27: {  	s18 =	smul.u32 @!p1 $0xF4280, s18  }
0x28: {  	s19 =	sxor.u32 @!p1 $0xFFFFFFFF, s13;
	s16 =	sshrl.u32 @!p1 s16, $0x11  }
0x29: {  	s19 =	sshll.u32 @!p1 s19, $0xD;
	s16 =	sand.u32 @!p1 $0x3F, s16;
	s17 =	ssub.s32 @!p1 s17, s18  }
0x2a: {  	s16 =	smul.u32 @!p1 $0x1E850, s16;
	s18 =	sshrl.u32 @!p1 s17, $0x3;
	s17 =	sand.u32 @!p1 $0x7, s17  }
0x2b: {  	s19 =	sand.u32 @!p1 $0x2000, s19;
	s18 =	sadd.s32 @!p1 s2, s18;
	s17 =	sshll.u32 @!p1 s17, $0x12  }
0x2c: {  	s16 =	sadd.s32 @!p1 s16, s18;
	s17 =	sor.u32 @!p1 $0x400, s17;
	s18 =	simm.s32 @!p1 $0x7A1400  }
0x2d: {  	[tilespmem:s19], [sflag:$0x1] =	stream.strided.gather @!p1 [hbm4b:s16+s17], $0x2000, s18, s17, $0x38;
	[tilespmem:$0x8100] =	vst v63  }
0x2e: {  	p1 =	seq.s32 s13, $0x0  }
0x2f: {  	p2 =	sge.u32 @!p1 s13, s7  }
0x30: {  	p1 =	por p1, p2  }
.Ltmp2:
0x31: {  	_ = 	snop;
	(pc) =	sbr.rel @p1 .LBB1_5-.Ltmp2, $1  }
0x32: {  	_ =	sdelay $0x3  }
0x33: {  	s16 =	simm.s32 $0x1  }
0x34: {  	_ =	swait.ge [sflag:s4], $0x2000;
	s16 =	simm.s32 @!p0 $0x0  }
0x35: {  	[sflag:s4] =	ssyncset.done $0x0;
	s17 =	sshll.u32 s16, $0xD  }
0x36: {  	[sflag:s4] =	ssyncadd.s32 $0xFFFFE000;
	s17 =	sor.u32 $0x40, s17  }
0x37: {  	s16 =	smul.u32 $0x8200, s16;
	v0 =	vld [tilespmem:s17+$0x30]  }
0x38: {  	v1 =	vld [tilespmem:s17+$0xFFFFFFD0]  }
0x39: {  	s16 =	sshrl.u32 s16, $0x2;
	v5 =	vld [tilespmem:s17+$0xFFFFFFE0]  }
0x3a: {  	v6 =	vld [tilespmem:s17+$0xFFFFFFF0];
	s19 =	sor.u32 $0x4000, s16  }
0x3b: {  	s31 =	sand.u32 $0x1, s13;
	v4 =	vld [tilespmem:s17+$0x0];
	s18 =	sadd.s32 $0x0, s19  }
0x3c: {  	v3 =	vld [tilespmem:s17+$0x10];
	s16 =	smul.u32 $0x8200, s31;
	[tilespmem:s18+$0x1C70 ss:$0x41] =	vst.msk $0xffff, v0  }
0x3d: {  	v2 =	vld [tilespmem:s17+$0x20];
	[tilespmem:s18+$0x410 ss:$0x41] =	vst.msk $0xffff, v1  }
0x3e: {  	s16 =	sshrl.u32 s16, $0x2;
	v1 =	vld [tilespmem:s17+$0xFFFFFFC0];
	[tilespmem:s18+$0x820 ss:$0x41] =	vst.msk $0xffff, v5;
	s17 =	sadd.s32 $0x80, s17  }
0x3f: {  	s20 =	simm.s32 $0x4;
	s21 =	simm.s32 $0x8;
	s16 =	sor.u32 $0x4000, s16;
	[tilespmem:s18+$0xC30 ss:$0x41] =	vst.msk $0xffff, v6;
	v0 =	vld [tilespmem:s17+$0x30]  }
.LBB1_3:
0x40: {  	p1 =	sne.s32 s21, $0xFC;
	v5 =	vld [tilespmem:s17+$0xFFFFFFD0];
	[tilespmem:s18+$0x1040 ss:$0x41] =	vst.msk $0xffff, v4  }
0x41: {  	v6 =	vld [tilespmem:s17+$0xFFFFFFE0];
	[tilespmem:s18+$0x1450 ss:$0x41] =	vst.msk $0xffff, v3  }
0x42: {  	s22 =	sshra.s32 s20, $0x2;
	s20 =	smov.u32 s21;
	v7 =	vld [tilespmem:s17+$0xFFFFFFF0];
	[tilespmem:s18+$0x1860 ss:$0x41] =	vst.msk $0xffff, v2  }
.Ltmp3:
0x43: {  	v4 =	vld [tilespmem:s17+$0x0];
	[tilespmem:s18+$0x0 ss:$0x41] =	vst.msk $0xffff, v1;
	s18 =	sadd.s32 s22, s19;
	(pc) =	sbr.rel @p1 .LBB1_3-.Ltmp3, $4  }
0x44: {  	v3 =	vld [tilespmem:s17+$0x10];
	[tilespmem:s18+$0x1C70 ss:$0x41] =	vst.msk $0xffff, v0  }
0x45: {  	[tilespmem:s18+$0x410 ss:$0x41] =	vst.msk $0xffff, v5;
	v2 =	vld [tilespmem:s17+$0x20]  }
0x46: {  	v1 =	vld [tilespmem:s17+$0xFFFFFFC0];
	[tilespmem:s18+$0x820 ss:$0x41] =	vst.msk $0xffff, v6;
	s17 =	sadd.s32 $0x80, s17  }
0x47: {  	s21 =	sadd.s32 $0x4, s21;
	v0 =	vld [tilespmem:s17+$0x30];
	[tilespmem:s18+$0xC30 ss:$0x41] =	vst.msk $0xffff, v7  }
0x48: {  	s21 =	sshll.u32 s9, $0x7;
	s22 =	sshll.u32 s10, $0x3;
	s20 =	sshra.s32 s20, $0x2  }
0x49: {  	p1 =	sgt.s32 s9, $0xF41C0;
	s30 =	sshra.s32 s9, $0x1F;
	s25 =	sshra.s32 s10, $0x1F  }
0x4a: {  	v5 =	vld [tilespmem:s17+$0xFFFFFFD0];
	s28 =	sshrl.u32 s10, $0x3;
	s23 =	sand.u32 $0xFFFFFC00, s21;
	s22 =	sand.u32 $0xFFFFFC00, s22  }
0x4b: {  	[tilespmem:s18+$0x1040 ss:$0x41] =	vst.msk $0xffff, v4;
	v58 =	vld [tilespmem:s17+$0xFFFFFFE0];
	s21 =	sand.u32 $0x380, s21;
	s19 =	sadd.s32 s20, s19;
	s22 =	sadd.s32 s22, s23  }
0x4c: {  	v59 =	vld [tilespmem:s17+$0xFFFFFFF0];
	[tilespmem:s18+$0x1450 ss:$0x41] =	vst.msk $0xffff, v3;
	s29 =	sor.u32 s21, s22;
	s21 =	smov.u32 s9;
	s22 =	sand.u32 s30, s9  }
0x4d: {  	v60 =	vld [tilespmem:s17+$0x0];
	[tilespmem:s18+$0x1860 ss:$0x41] =	vst.msk $0xffff, v2;
	s30 =	sand.u32 $0x7, s10;
	s20 =	sshrl.u32 s29, $0x7;
	s21 =	simm.s32 @!p1 $0xF41C0  }
0x4e: {  	v61 =	vld [tilespmem:s17+$0x10];
	[tilespmem:s18+$0x0 ss:$0x41] =	vst.msk $0xffff, v1;
	p1 =	sgt.s32 s10, $0x40;
	s24 =	ssub.s32 s21, s22;
	s21 =	smov.u32 s10  }
0x4f: {  	v62 =	vld [tilespmem:s17+$0x20];
	[tilespmem:s19+$0x1C70 ss:$0x41] =	vst.msk $0xffff, v0;
	s31 =	smulhi.u32 $0x218DEF5, s20;
	s22 =	sand.u32 s25, s10;
	s21 =	simm.s32 @!p1 $0x40  }
0x50: {  	v63 =	vld [tilespmem:s17+$0xFFFFFFC0];
	[tilespmem:s19+$0x410 ss:$0x41] =	vst.msk $0xffff, v5;
	s26 =	sadd.s32 $0xFFF0BE40, s24;
	s17 =	ssub.s32 $0xF4240, s24;
	s21 =	ssub.s32 s21, s22  }
0x51: {  	[tilespmem:s19+$0x820 ss:$0x41] =	vst.msk $0xffff, v58;
	s23 =	sshrl.u32 s31, $0xD;
	p1 =	sgt.s32 s26, $0x7F;
	s27 =	sadd.s32 $0xFFFFFFC0, s21  }
0x52: {  	[tilespmem:s19+$0xC30 ss:$0x41] =	vst.msk $0xffff, v59;
	s23 =	smul.u32 $0xF4240, s23;
	s18 =	ssub.s32 $0x80, s21;
	p2 =	sgt.s32 s27, $0x3F  }
.Ltmp4:
0x53: {  	[tilespmem:s19+$0x1040 ss:$0x41] =	vst.msk $0xffff, v60;
	s17 =	simm.s32 @p1 $0x0;
	s18 =	simm.s32 @p2 $0x0;
	(pc) =	sbr.rel .LBB1_5-.Ltmp4, $4  }
0x54: {  	s29 =	sand.u32 $0xF, s28;
	[tilespmem:s19+$0x1450 ss:$0x41] =	vst.msk $0xffff, v61;
	s20 =	ssub.s32 s20, s23;
	s17 =	smul.u32 s18, s17  }
0x55: {  	[tilespmem:s19+$0x1860 ss:$0x41] =	vst.msk $0xffff, v62;
	s21 =	sshll.u32 s30, $0x12;
	s20 =	sshll.u32 s20, $0x4;
	s18 =	sadd.s32 s5, s29  }
0x56: {  	[tilespmem:s19+$0x0 ss:$0x41] =	vst.msk $0xffff, v63;
	s31 =	sor.u32 $0x40, s21;
	s18 =	sadd.s32 s20, s18;
	s17 =	sand.u32 $0x3FFFFFFF, s17  }
0x57: {  	[hbm4b:s18+s31] =	stream.strided.scatter [tilespmem:s16], [sflag:$0x2], s17, s8, s31, $0x18;
	[tilespmem:$0x8100] =	vst v63  }
.LBB1_6:
0x58: {  	_ =	sfence.sel $0x180000  }
0x59: {  	s2 =	simm.s32 $0x1;
	[bflag:$0x0] =	sbarrier.arrive $0xFFFF  }
0x5a: {  	s31 =	simm.s32 $0x2;
	[sflag:s2] =	ssyncpa.u1 $0x1  }
0x5b: {  	[sflag:s31] =	ssyncpa.u1 $0x1  }
0x5c: {  	p0 =	sne.s32 s1, $0x0;
	_ =	strace $0x90000047  }
0x5d: {  	s0 =	sadd.s32 @!p0 $0x100000, s0;
	[bflag:$0x2] =	sbarrier.arrive $0xFFFF  }
0x5e: {  	[sflag:s0] =	ssyncadd.tile.s32 @!p0 $0x1;
	_ =	shalt  }
.Lfunc_end1:
_tile_overlayer_lowered:
.L_overlay_start_2:
0x5f: {  	(tag) =	ssettag $0x2  }
0x60: {  	s0 =	rddreg [dreg:$0x0];
	s2 =	stileid.u32  }
0x61: {  	s1 =	rddreg [dreg:$0x1];
	p0 =	sne.s32 s2, $0x0  }
0x62: {  	s3 =	rddreg [dreg:$0x2];
	[bflag:$0x3] =	sbarrier.arrive $0xFFFF;
	s2 =	simm.s32 @!p0 $0x1C01  }
0x63: {  	[timem:s3], [sflag:s2] =	dma.local @!p0 [hbm:s0], s1  }
0x64: {  	s0 =	simm.s32 @!p0 $0x1  }
0x65: {  	_ =	swait.ge @!p0 [sflag:s0], s1  }
0x66: {  	s1 =	ssub.s32 @!p0 $0x0, s1;
	[sflag:s0] =	ssyncset.done @!p0 $0x0  }
0x67: {  	[sflag:s0] =	ssyncadd.s32 @!p0 s1  }
0x68: {  	[bflag:$0x3] =	sbarrier.arrive $0xFFFF  }
0x69: {  	_ =	shalt  }

// kernel: sparse-core-data-format-call.cloned.1.call-start
scs
called_computation_lowered:
.L_overlay_start_0:
0x0: {  	s2 =	sld [smem:$0x3FD9]  }
0x1: {  	s3 =	sld [smem:$0x3FFE];
	_ =	sdelay $0x1  }
0x2: {  	s1 =	srdreg.scid  }
0x3: {  	s0 =	sand.u32 $0x1, s1  }
0x4: {  	s18 =	sshll.u32 s0, $0xA;
	s2 =	sadd.s32 s3, s2  }
0x5: {  	s2 =	sadd.s32 s2, s18  }
0x6: {  	[smem:$0x3FC6] =	sst s2  }
0x7: {  	_ = 	snop  }
0x8: {  	s2 =	sld [smem:$0x3FD0];
	(tm) =	ssettm $0x1  }
0x9: {  	s19 =	sld [smem:$0x3FFB];
	_ =	sdelay $0x3  }
0xa: {  	_ =	strace s19  }
0xb: {  	s3 =	sld [smem:$0x3FFC];
	_ =	sdelay $0x3  }
0xc: {  	_ =	strace s3  }
0xd: {  	s3 =	sld [smem:$0x3FFD];
	_ =	sdelay $0x3  }
0xe: {  	_ =	strace s3  }
0xf: {  	_ =	strace $0x8FFFFFFF  }
0x10: {  	s20 =	sld [smem:$0x3FDB];
	_ =	sdelay $0x1  }
0x11: {  	s4 =	simm.s32 $_scs_section_size  }
0x12: {  	s5 =	simm.s32 $_size__tile_overlayer_lowered;
	s6 =	simm.s32 $_tile_overlayer_lowered  }
0x13: {  	s23 =	simm.s32 $0x1BFF;
	s22 =	sshll.u32 s6, $0x1;
	s3 =	sadd.s32 s4, s20  }
0x14: {  	s7 =	simm.s32 $0x0;
	s21 =	sshll.u32 s5, $0x1;
	s5 =	sadd.s32 s22, s3  }
0x15: {  	[timem:s7], [sflag:s23] =	dma.local [hbm:s5], s21  }
0x16: {  	_ =	swait.ge [sflag:s23], s21  }
0x17: {  	s4 =	ssub.s32 $0x0, s21;
	[sflag:s23] =	ssyncset.done $0x0  }
0x18: {  	[sflag:s23] =	ssyncadd.s32 s4;
	_ =	sdelay $0x1  }
0x19: {  	s24 =	simm.s32 $0x1B8B  }
0x1a: {  	_ =	swait.ge [sflag:s24], $0x1  }
0x1b: {  	[sflag:s24] =	ssyncset.done $0x0  }
0x1c: {  	s26 =	simm.s32 $0x1B8E;
	s25 =	sld [smem:$0x3FFE];
	[sflag:s24] =	ssyncadd.s32 $0xFFFFFFFF  }
0x1d: {  	s27 =	simm.s32 $execute0_lowered;
	[smem:$0x3FD2] =	sst s26  }
0x1e: {  	s5 =	sshll.u32 s27, $0x1;
	_ =	strace $0x8000004C;
	[dreg:$0x1] =	wrdreg $0xFFFFFFFF  }
0x1f: {  	s28 =	simm.s32 $_size_execute0_lowered;
	s3 =	sadd.s32 s3, s5;
	[dreg:$0x0] =	wrdreg $0x0  }
0x20: {  	s5 =	sshll.u32 s28, $0x1;
	[dreg:$0x2] =	wrdreg s3  }
0x21: {  	[dreg:$0x3] =	wrdreg s5  }
0x22: {  	[dreg:$0x4] =	wrdreg $0xC0  }
0x23: {  	_ =	task [dreg:s7], $0x5FFFF  }
0x24: {  	[dreg:$0x1] =	wrdreg $0xFFFFFFFF  }
0x25: {  	[dreg:$0x0] =	wrdreg $0x60  }
0x26: {  	[dreg:$0x2] =	wrdreg s25  }
0x27: {  	[dreg:$0x3] =	wrdreg s2  }
0x28: {  	[dreg:$0x4] =	wrdreg $0x9  }
0x29: {  	_ =	task.clear_ibuf [dreg:s7], $0x5FFFF;
	_ =	strace $0x9000004C  }
0x2a: {  	s29 =	simm.s32 $0x9;
	_ =	strace $0x8000004E  }
0x2b: {  	_ =	swait.ge [sflag:s29], $0x1  }
0x2c: {  	[sflag:s29] =	ssyncadd.s32 $0xFFFFFFFF  }
0x2d: {  	_ =	strace $0x9000004E  }
0x2e: {  	_ =	sfence  }
0x2f: {  	s30 =	sld [smem:$0x0];
	_ =	sdelay $0x2  }
0x30: {  	s31 =	sshll.u32 s1, $0xD;
	s1 =	sshrl.u32 s1, $0x2  }
0x31: {  	s3 =	sand.u32 $0x4000, s31;
	s1 =	sadd.s32 s1, s30  }
0x32: {  	s0 =	sor.u32 s3, s0;
	s1 =	sshll.u32 s1, $0x11  }
0x33: {  	s0 =	sor.u32 s1, s0  }
0x34: {  	s0 =	sadd.s32 $0x8F2B, s0  }
0x35: {  	[sflag:s0] =	ssyncadd.remote.s32 $0x1  }
0x36: {  	_ =	sfence.sel $0xFFFF  }
0x37: {  	[dreg:$0x0] =	wrdreg $0xFFFFFFFF;
	(pc) =	sbr.abs _section_cstart, $3  }
0x38: {  	[dreg:$0x1] =	wrdreg $0xFFFFFFFF  }
0x39: {  	_ =	task.clear_ibuf [dreg:s7], $0x2FFFF;
	_ =	strace $0x9FFFFFFF  }
0x3a: {  	(tm) =	ssettm $0x7FFFFFFF  }
0x3b: {  	_ =	shalt  }
tec
execute0_lowered:
.L_overlay_start_1:
0x0: {  	(tag) =	ssettag $0x1  }
0x1: {  	s0 =	srdreg.scid  }
0x2: {  	s1 =	sshll.u32 s0, $0x4  }
0x3: {  	s0 =	stileid.u32;
	s1 =	sand.u32 $0x10, s1  }
0x4: {  	s1 =	sor.u32 s0, s1  }
0x5: {  	s6 =	rddreg [dreg:$0x0];
	s4 =	simm.s32 $0x1;
	s2 =	sshll.u32 s1, $0x7  }
0x6: {  	s7 =	simm.s32 $0x2;
	s12 =	simm.s32 $0x0;
	s1 =	ssub.s32 $0x1000, s2  }
0x7: {  	s8 =	simm.s32 $0x8000;
	s13 =	simm.s32 $0x0;
	s3 =	sand.u32 $0xF80, s1  }
0x8: {  	s9 =	simm.s32 $0x0;
	s5 =	sshrl.u32 s1, $0xC;
	p0 =	sne.s32 s3, $0x0  }
.Ltmp0:
0x9: {  	s1 =	rddreg [dreg:$0x2];
	s4 =	simm.s32 @!p0 $0x0;
	(pc) =	sbr.rel .LBB1_1-.Ltmp0, $4  }
0xa: {  	s11 =	simm.s32 $0x0;
	s3 =	rddreg [dreg:$0x1];
	s5 =	sadd.s32 s4, s5  }
0xb: {  	_ =	strace $0x8000004D;
	s4 =	simm.s32 $0x1;
	s5 =	smul.u32 $0xC8, s5  }
0xc: {  	s6 =	sadd.s32 $0xE00, s6;
	s10 =	smov.u32 s2;
	[sflag:s4] =	ssyncpa.u1 $0x0  }
0xd: {  	p0 =	por $0x0, $0x0;
	[sflag:s7] =	ssyncpa.u1 $0x0;
	s7 =	sor.u32 $0x1, s5  }
.LBB1_4:
0xe: {  	s16 =	sshll.u32 s13, $0x3;
	s17 =	sand.u32 $0x78, s13  }
0xf: {  	s30 =	sand.u32 $0x7E00, s13;
	s12 =	sshll.u32 s12, $0xF;
	s16 =	sand.u32 $0xC00, s16  }
0x10: {  	[tilespmem:s15+$0x810 ss:$0x81] =	vst.msk $0xffff, v2;
	s31 =	sand.u32 $0x7, s13;
	s16 =	sor.u32 s17, s16;
	s17 =	sadd.s32 s3, s30  }
0x11: {  	[tilespmem:s15+$0x1020 ss:$0x81] =	vst.msk $0xffff, v0;
	s13 =	sshll.u32 s31, $0x12;
	s12 =	sadd.s32 s12, s17;
	s16 =	sshrl.u32 s16, $0x3  }
0x12: {  	[tilespmem:s15+$0x0 ss:$0x81] =	vst.msk $0xffff, v1;
	s13 =	sor.u32 $0x400, s13;
	s12 =	sadd.s32 s16, s12  }
0x13: {  	[hbm4b:s12+s13] =	stream.strided.scatter [tilespmem:s14], [sflag:$0x2], $0x2000, s8, s13, $0x20;
	[tilespmem:$0x8080] =	vst v63  }
.LBB1_5:
0x14: {  	s14 =	sadd.s32 $0x1, s9  }
0x15: {  	s12 =	sadd.s32 $0x1000, s10;
	s16 =	smov.u32 s10;
	p2 =	sgt.s32 s14, $0xC7  }
0x16: {  	s16 =	smov.u32 @p2 s12  }
0x17: {  	s14 =	simm.s32 @p2 $0x0;
	p2 =	sgt.s32 s16, $0xFFF  }
0x18: {  	s16 =	smov.u32 @p2 s2;
	p2 =	sne.s32 s11, s7  }
.Ltmp1:
0x19: {  	p1 =	slt.u32 s11, $0x2;
	(pc) =	sbr.rel @!p2 .LBB1_6-.Ltmp1, $4  }
0x1a: {  	s15 =	simm.s32 @!p1 $0x2  }
0x1b: {  	s13 =	smov.u32 s10;
	p0 =	por !p0, !p0;
	_ =	swait.ge @!p1 [sflag:s15], $0x2000  }
0x1c: {  	s12 =	smov.u32 s9;
	[sflag:s15] =	ssyncset.done @!p1 $0x0;
	s9 =	smov.u32 s14  }
0x1d: {  	s11 =	sadd.s32 $0x1, s11;
	[sflag:s15] =	ssyncadd.s32 @!p1 $0xFFFFE000;
	s10 =	smov.u32 s16  }
.LBB1_1:
0x1e: {  	p1 =	sge.u32 s11, s5  }
0x1f: {  	s14 =	sand.u32 @!p1 $0x1FFFFFF, s9  }
0x20: {  	s15 =	smulhi.u32 @!p1 $0x147AE15, s14;
	_ =	sdelay $0x1  }
0x21: {  	s15 =	smul.u32 @!p1 $0xC8, s15  }
0x22: {  	s16 =	sxor.u32 @!p1 $0xFFFFFFFF, s11;
	s17 =	smul.u32 @!p1 $0xC80, s10  }
0x23: {  	s31 =	sadd.s32 $0xFFFFFFFF, s11;
	s16 =	sshll.u32 @!p1 s16, $0xD;
	s14 =	ssub.s32 @!p1 s14, s15  }
0x24: {  	s15 =	sand.u32 @!p1 $0x2000, s16;
	s16 =	sadd.s32 @!p1 s6, s17;
	s14 =	sshll.u32 @!p1 s14, $0x4  }
0x25: {  	s17 =	simm.s32 @!p1 $0x6400;
	s14 =	sadd.s32 @!p1 s14, s16;
	s16 =	simm.s32 @!p1 $0x40  }
0x26: {  	[tilespmem:s15], [sflag:$0x1] =	stream.strided.gather @!p1 [hbm4b:s14+s16], $0x2000, s17, s16, $0x38;
	[tilespmem:$0x8080] =	vst v63  }
0x27: {  	p1 =	sge.u32 s31, s5  }
.Ltmp2:
0x28: {  	_ = 	snop;
	(pc) =	sbr.rel @p1 .LBB1_5-.Ltmp2, $1  }
0x29: {  	_ =	sdelay $0x3  }
0x2a: {  	s14 =	simm.s32 $0x1  }
0x2b: {  	_ =	swait.ge [sflag:s4], $0x2000;
	s14 =	simm.s32 @!p0 $0x0  }
0x2c: {  	[sflag:s4] =	ssyncset.done $0x0;
	s15 =	sshll.u32 s14, $0xD  }
0x2d: {  	[sflag:s4] =	ssyncadd.s32 $0xFFFFE000;
	s18 =	sor.u32 $0x20, s15  }
0x2e: {  	s14 =	smul.u32 $0x8100, s14;
	v3 =	vld [tilespmem:s18+$0x10]  }
0x2f: {  	s30 =	sand.u32 $0x1, s11;
	v2 =	vld [tilespmem:s18+$0xFFFFFFF0]  }
0x30: {  	s15 =	smul.u32 $0x8100, s30;
	s14 =	sshrl.u32 s14, $0x2;
	v0 =	vld [tilespmem:s18+$0x0]  }
0x31: {  	v1 =	vld [tilespmem:s18+$0xFFFFFFE0];
	s16 =	sor.u32 $0x4000, s14  }
0x32: {  	s31 =	sshrl.u32 s15, $0x2;
	s15 =	sadd.s32 $0x0, s16  }
0x33: {  	s17 =	simm.s32 $0x4;
	s18 =	sadd.s32 $0x40, s18;
	s14 =	sor.u32 $0x4000, s31;
	[tilespmem:s15+$0x1830 ss:$0x81] =	vst.msk $0xffff, v3  }
.LBB1_3:
0x34: {  	v3 =	vld [tilespmem:s18+$0x10];
	p1 =	sne.s32 s17, $0x1FC;
	[tilespmem:s15+$0x810 ss:$0x81] =	vst.msk $0xffff, v2;
	s19 =	smov.u32 s17;
	s17 =	sadd.s32 $0x4, s17  }
.Ltmp3:
0x35: {  	v2 =	vld [tilespmem:s18+$0xFFFFFFF0];
	[tilespmem:s15+$0x1020 ss:$0x81] =	vst.msk $0xffff, v0;
	(pc) =	sbr.rel @p1 .LBB1_3-.Ltmp3, $4  }
0x36: {  	v0 =	vld [tilespmem:s18+$0x0];
	[tilespmem:s15+$0x0 ss:$0x81] =	vst.msk $0xffff, v1  }
0x37: {  	s15 =	sshra.s32 s19, $0x2;
	v1 =	vld [tilespmem:s18+$0xFFFFFFE0]  }
0x38: {  	s15 =	sadd.s32 s15, s16  }
0x39: {  	s18 =	sadd.s32 $0x40, s18;
	[tilespmem:s15+$0x1830 ss:$0x81] =	vst.msk $0xffff, v3  }
.Ltmp4:
0x3a: {  	_ = 	snop;
	(pc) =	sbr.rel .LBB1_4-.Ltmp4, $1  }
0x3b: {  	_ =	sdelay $0x3  }
.LBB1_6:
0x3c: {  	_ =	sfence.sel $0x180000  }
0x3d: {  	s2 =	simm.s32 $0x1;
	[bflag:$0x0] =	sbarrier.arrive $0xFFFF  }
0x3e: {  	s31 =	simm.s32 $0x2;
	[sflag:s2] =	ssyncpa.u1 $0x1  }
0x3f: {  	[sflag:s31] =	ssyncpa.u1 $0x1  }
0x40: {  	p0 =	sne.s32 s0, $0x0;
	_ =	strace $0x9000004D  }
0x41: {  	s0 =	sadd.s32 @!p0 $0x100000, s1;
	[bflag:$0x2] =	sbarrier.arrive $0xFFFF  }
0x42: {  	[sflag:s0] =	ssyncadd.tile.s32 @!p0 $0x1;
	_ =	shalt  }
.Lfunc_end1:
_tile_overlayer_lowered:
.L_overlay_start_2:
0x43: {  	(tag) =	ssettag $0x2  }
0x44: {  	s0 =	rddreg [dreg:$0x0];
	s2 =	stileid.u32  }
0x45: {  	s1 =	rddreg [dreg:$0x1];
	p0 =	sne.s32 s2, $0x0  }
0x46: {  	s3 =	rddreg [dreg:$0x2];
	[bflag:$0x3] =	sbarrier.arrive $0xFFFF;
	s2 =	simm.s32 @!p0 $0x1C01  }
0x47: {  	[timem:s3], [sflag:s2] =	dma.local @!p0 [hbm:s0], s1  }
0x48: {  	s0 =	simm.s32 @!p0 $0x1  }
0x49: {  	_ =	swait.ge @!p0 [sflag:s0], s1  }
0x4a: {  	s1 =	ssub.s32 @!p0 $0x0, s1;
	[sflag:s0] =	ssyncset.done @!p0 $0x0  }
0x4b: {  	[sflag:s0] =	ssyncadd.s32 @!p0 s1  }
0x4c: {  	[bflag:$0x3] =	sbarrier.arrive $0xFFFF  }
0x4d: {  	_ =	shalt  }

</sc_bundles>
